<compile_context>
chip_gen: v7x
topology: tpu7x:2x2x1
jax: 0.10.2.dev20260603
libtpu: 0.0.44.dev20260713+nightly
codegen_flags: <defaults>
</compile_context>

<pallas_src>
import functools

import jax
import jax.numpy as jnp
from jax import lax
from jax.experimental import pallas as pl
from jax.experimental.pallas import tpu as pltpu
from jax.experimental.pallas import tpu_sc as plsc

F = 10000
NH = 5000
NE = F + NH
D = 128
A = 64
E = 320000
NB = 1024

NC = 2
NS = 16
NW = NC * NS
EPW = E // NW
K = 16
NP = EPW // (2 * K)
FP = 10240
RPT = FP // NS

TAW = 256
PFW = 128

FBLK = 1000
NFB = F // FBLK
NTB = NE // FBLK



def _pre_body(feat_ref, hid_ref, w1_ref, w2_ref, b_ref, t_ref, pf_ref):
    i = pl.program_id(0)

    @pl.when(i < NFB)
    def _():
        src = feat_ref[...]
        t_ref[:, :D] = src
        t_ref[:, D:D + A] = jnp.dot(src, w2_ref[...], preferred_element_type=jnp.float32)
        t_ref[:, D + A:] = jnp.zeros((FBLK, TAW - D - A), jnp.float32)
        pf_ref[:, :A] = jnp.dot(src, w1_ref[...], preferred_element_type=jnp.float32) + b_ref[...]
        pf_ref[:, A:] = jnp.zeros((FBLK, PFW - A), jnp.float32)

    @pl.when(i >= NFB)
    def _():
        src = hid_ref[...]
        t_ref[:, :D] = src
        t_ref[:, D:D + A] = jnp.dot(src, w2_ref[...], preferred_element_type=jnp.float32)
        t_ref[:, D + A:] = jnp.zeros((FBLK, TAW - D - A), jnp.float32)


_pre_call = pl.pallas_call(
    _pre_body,
    grid=(NTB,),
    in_specs=[
        pl.BlockSpec((FBLK, D), lambda i: (jnp.minimum(i, NFB - 1), 0)),
        pl.BlockSpec((FBLK, D), lambda i: (jnp.maximum(i - NFB, 0), 0)),
        pl.BlockSpec((D, A), lambda i: (0, 0)),
        pl.BlockSpec((D, A), lambda i: (0, 0)),
        pl.BlockSpec((1, A), lambda i: (0, 0)),
    ],
    out_specs=[
        pl.BlockSpec((FBLK, TAW), lambda i: (i, 0)),
        pl.BlockSpec((FBLK, PFW), lambda i: (jnp.minimum(i, NFB - 1), 0)),
    ],
    out_shape=[
        jax.ShapeDtypeStruct((NE, TAW), jnp.float32),
        jax.ShapeDtypeStruct((F, PFW), jnp.float32),
    ],
)



def _sc_body(t_hbm, pf_hbm, u_hbm, idx_hbm, part_hbm,
             num_hbm, den_hbm,
             idx_a, part_a, rows_a, pf_a, out_a,
             idx_b, part_b, rows_b, pf_b, out_b,
             u_v, den_v, acc,
             sem_ia, sem_ib, sem_ga, sem_gb, sem_s):
    cid = lax.axis_index("c")
    sid = lax.axis_index("s")
    wid = sid * NC + cid

    lanes = lax.iota(jnp.int32, 16)
    zeros16 = jnp.zeros((16,), jnp.float32)
    gdn = lax.GatherDimensionNumbers(offset_dims=(), collapsed_slice_dims=(0,),
                                     start_index_map=(0,))

    def shuffle(x, p):
        return lax.gather(x, p[:, None], gdn, slice_sizes=(1,),
                          mode=lax.GatherScatterMode.PROMISE_IN_BOUNDS)

    pltpu.sync_copy(u_hbm, u_v)

    def zden(i, carry):
        den_v[pl.ds(i * 16, 16)] = zeros16
        return carry

    lax.fori_loop(0, FP // 16, zden, 0)

    def zout(i, carry):
        out_a[i // 8, pl.ds(16 * (i % 8), 16)] = zeros16
        return carry

    lax.fori_loop(0, K * 8, zout, 0)

    def zacc(z, carry):
        pltpu.sync_copy(out_a, acc.at[pl.ds(sid * RPT + z * K, K)])
        return carry

    lax.fori_loop(0, RPT // K, zacc, 0)
    plsc.subcore_barrier()

    u_regs = [u_v[pl.ds(16 * j, 16)] for j in range(4)]
    perms = [lanes ^ 8, lanes ^ 4, lanes ^ 2, lanes ^ 1]
    prev_ix = jnp.maximum(lanes - 1, 0)
    next_ix = jnp.minimum(lanes + 1, 15)

    def compute(partb, rowsb, pfb, outb):
        def edge(e, s16):
            for j in range(8):
                outb[e, pl.ds(16 * j, 16)] = rowsb[e, pl.ds(16 * j, 16)]
            return s16

        s16 = lax.fori_loop(0, K, edge, zeros16)
        part16 = partb[...]
        cs = s16
        for d in (1, 2, 4, 8):
            sh = shuffle(cs, jnp.maximum(lanes - d, 0))
            cs = cs + jnp.where(lanes >= d, sh, 0.0)
        ecs = cs - s16
        first = (lanes == 0) | (part16 != shuffle(part16, prev_ix))
        last = (lanes == 15) | (part16 != shuffle(part16, next_ix))
        plsc.addupdate_scatter(den_v, [part16], cs, mask=last)
        plsc.addupdate_scatter(den_v, [part16], -ecs, mask=first)
        return pltpu.async_copy(outb, acc.at[part16], sem_s, add=True)

    def pair(p, carry):
        base = wid * EPW + p * 2 * K
        ci1 = pltpu.async_copy(idx_hbm.at[pl.ds(base, K)], idx_a, sem_ia)
        ci2 = pltpu.async_copy(part_hbm.at[pl.ds(base, K)], part_a, sem_ia)
        ci3 = pltpu.async_copy(idx_hbm.at[pl.ds(base + K, K)], idx_b, sem_ib)
        ci4 = pltpu.async_copy(part_hbm.at[pl.ds(base + K, K)], part_b, sem_ib)
        ci1.wait()
        ci2.wait()
        ga1 = pltpu.async_copy(t_hbm.at[idx_a], rows_a, sem_ga)
        ga2 = pltpu.async_copy(pf_hbm.at[part_a], pf_a, sem_ga)
        ci3.wait()
        ci4.wait()
        gb1 = pltpu.async_copy(t_hbm.at[idx_b], rows_b, sem_gb)
        gb2 = pltpu.async_copy(pf_hbm.at[part_b], pf_b, sem_gb)
        ga1.wait()
        ga2.wait()
        sa = compute(part_a, rows_a, pf_a, out_a)
        gb1.wait()
        gb2.wait()
        sb = compute(part_b, rows_b, pf_b, out_b)
        sa.wait()
        sb.wait()
        return carry

    lax.fori_loop(0, NP, pair, 0)
    base = wid * EPW + 2 * K * NP
    pltpu.sync_copy(idx_hbm.at[pl.ds(base, K)], idx_a)
    pltpu.sync_copy(part_hbm.at[pl.ds(base, K)], part_a)
    g1 = pltpu.async_copy(t_hbm.at[idx_a], rows_a, sem_ga)
    g2 = pltpu.async_copy(pf_hbm.at[part_a], pf_a, sem_ga)
    g1.wait()
    g2.wait()
    compute(part_a, rows_a, pf_a, out_a).wait()
    plsc.subcore_barrier()
    pltpu.sync_copy(acc.at[pl.ds(sid * RPT, RPT)],
                    num_hbm.at[cid, pl.ds(sid * RPT, RPT)])
    pltpu.sync_copy(den_v, den_hbm.at[wid])


_sc_call = functools.partial(
    pl.kernel,
    out_type=[
        jax.ShapeDtypeStruct((NC, FP, D), jnp.float32),
        jax.ShapeDtypeStruct((NW, FP), jnp.float32),
    ],
    mesh=plsc.VectorSubcoreMesh(core_axis_name="c", subcore_axis_name="s"),
    compiler_params=pltpu.CompilerParams(needs_layout_passes=False),
    scratch_types=[
        pltpu.VMEM((K,), jnp.int32),
        pltpu.VMEM((K,), jnp.int32),
        pltpu.VMEM((K, TAW), jnp.float32),
        pltpu.VMEM((K, PFW), jnp.float32),
        pltpu.VMEM((K, D), jnp.float32),
        pltpu.VMEM((K,), jnp.int32),
        pltpu.VMEM((K,), jnp.int32),
        pltpu.VMEM((K, TAW), jnp.float32),
        pltpu.VMEM((K, PFW), jnp.float32),
        pltpu.VMEM((K, D), jnp.float32),
        pltpu.VMEM((A,), jnp.float32),
        pltpu.VMEM((FP,), jnp.float32),
        pltpu.VMEM_SHARED((FP, D), jnp.float32),
        pltpu.SemaphoreType.DMA,
        pltpu.SemaphoreType.DMA,
        pltpu.SemaphoreType.DMA,
        pltpu.SemaphoreType.DMA,
        pltpu.SemaphoreType.DMA,
    ],
)(_sc_body)



MB = 256


def _post_body(v_ref, num_ref, den_ref, o_ref):
    num = num_ref[0, :F, :] + num_ref[1, :F, :]
    den = jnp.sum(den_ref[...], axis=0)[:F, None]
    den = jnp.where(den == 0.0, 1.0, den)
    ctx = num / den
    o_ref[...] = jnp.dot(v_ref[...], ctx, preferred_element_type=jnp.float32)


_post_call = pl.pallas_call(
    _post_body,
    grid=(NB // MB,),
    in_specs=[
        pl.BlockSpec((MB, F), lambda m: (m, 0)),
        pl.BlockSpec((NC, FP, D), lambda m: (0, 0, 0)),
        pl.BlockSpec((NW, FP), lambda m: (0, 0)),
    ],
    out_specs=pl.BlockSpec((MB, D), lambda m: (m, 0)),
    out_shape=jax.ShapeDtypeStruct((NB, D), jnp.float32),
)


def kernel(values, basic_feature_embeddings, basic_hidden_embeddings,
           w_kernel, w_bias, u_kernel,
           flattened_connection_indices, connection_partition):
    w1 = w_kernel[:D]
    w2 = w_kernel[D:]
    b = w_bias.reshape(1, A)
    u = u_kernel.reshape(A)
    idx = flattened_connection_indices.astype(jnp.int32)
    part = connection_partition.astype(jnp.int32)

    t_tab, pf_tab = _pre_call(basic_feature_embeddings,
                              basic_hidden_embeddings, w1, w2, b)
    num, den = _sc_call(t_tab, pf_tab, u, idx, part)
    return _post_call(values, num, den)

# --- scband reference (transcript-rebuilt; emitter-appended) ---
"""Pipeline reference for scband-knowledge-embedding-77395310674420 (READ-ONLY COPY).

The authoritative reference and input builder live on the scoring server;
editing this copy changes nothing except your own understanding.
"""

import jax, jax.numpy as jnp
import numpy as np

NUM_FEATURES = 10000
NUM_HIDDEN = 5000
EMB_DIM = 128
ATT_DIM = 64
NUM_CONN = 320000
BATCH = 1024


def setup_inputs(seed: int = 0):
    key = jax.random.key(seed)
    ks = jax.random.split(key, 8)
    values = jax.random.normal(ks[0], (BATCH, NUM_FEATURES), dtype=jnp.float32)
    flattened_connection_indices = jax.random.randint(ks[1], (NUM_CONN,), 0, NUM_FEATURES + NUM_HIDDEN)
    connection_partition = jnp.sort(jax.random.randint(ks[2], (NUM_CONN,), 0, NUM_FEATURES))
    basic_feature_embeddings = jax.random.normal(ks[3], (NUM_FEATURES, EMB_DIM), dtype=jnp.float32) * 0.05
    basic_hidden_embeddings = jax.random.normal(ks[4], (NUM_HIDDEN, EMB_DIM), dtype=jnp.float32) * 0.05
    w_kernel = jax.random.normal(ks[5], (2 * EMB_DIM, ATT_DIM), dtype=jnp.float32) * (1.0 / np.sqrt(2 * EMB_DIM))
    w_bias = jnp.zeros((ATT_DIM,), dtype=jnp.float32)
    u_kernel = jax.random.normal(ks[6], (ATT_DIM, 1), dtype=jnp.float32) * (1.0 / np.sqrt(ATT_DIM))
    return {
        "values": values,
        "basic_feature_embeddings": basic_feature_embeddings,
        "basic_hidden_embeddings": basic_hidden_embeddings,
        "w_kernel": w_kernel,
        "w_bias": w_bias,
        "u_kernel": u_kernel,
        "flattened_connection_indices": flattened_connection_indices,
        "connection_partition": connection_partition,
    }


def reference(values, basic_feature_embeddings, basic_hidden_embeddings, w_kernel, w_bias, u_kernel, flattened_connection_indices, connection_partition):
    # _load_connection_embedding_matrix
    all_emb = jnp.concatenate([basic_feature_embeddings, basic_hidden_embeddings], axis=0)
    conn_emb = jnp.take(all_emb, flattened_connection_indices, axis=0)  # [E, d]
    # _load_attention_embedding_matrix
    feat_per_conn = jnp.take(basic_feature_embeddings, connection_partition, axis=0)  # [E, d]
    att_in = jnp.concatenate([feat_per_conn, conn_emb], axis=1)  # [E, 2d]
    # attention scores: u(w(x)) with tanh activation on w
    scores = jnp.tanh(att_in @ w_kernel + w_bias) @ u_kernel  # [E, 1]
    scores = jnp.exp(scores)
    # ragged softmax over connections per feature (segment-wise normalization)
    seg_sum = jax.ops.segment_sum(scores, connection_partition, num_segments=NUM_FEATURES)  # [F, 1]
    weights = scores / jnp.take(seg_sum, connection_partition, axis=0)  # [E, 1]
    # context vector per feature
    context = jax.ops.segment_sum(weights * conn_emb, connection_partition, num_segments=NUM_FEATURES)  # [F, d]
    # call(values): values @ embedding_matrix
    return values @ context

if __name__ == "__main__":
    import jax
    _d = setup_inputs()
    print(jax.jit(kernel)(*tuple(_d.values())))

</pallas_src>

<mosaic_0001>
#map = affine_map<(d0, d1) -> (0, 0)>
#map1 = affine_map<(d0, d1) -> (0)>
#map2 = affine_map<(d0, d1) -> (0, 0, 0)>
module attributes {stable_mosaic.version = 14 : i64} {
  func.func @_sc_body(%arg0: i32, %arg1: i32, %arg2: memref<15000x256xf32, #tpu.memory_space<hbm>>, %arg3: memref<10000x128xf32, #tpu.memory_space<hbm>>, %arg4: memref<64xf32, #tpu.memory_space<hbm>>, %arg5: memref<320000xi32, #tpu.memory_space<hbm>>, %arg6: memref<320000xi32, #tpu.memory_space<hbm>>, %arg7: memref<2x10240x128xf32, #tpu.memory_space<hbm>>, %arg8: memref<32x10240xf32, #tpu.memory_space<hbm>>, %arg9: memref<16xi32, #tpu.memory_space<vmem>>, %arg10: memref<16xi32, #tpu.memory_space<vmem>>, %arg11: memref<16x256xf32, #tpu.memory_space<vmem>>, %arg12: memref<16x128xf32, #tpu.memory_space<vmem>>, %arg13: memref<16x128xf32, #tpu.memory_space<vmem>>, %arg14: memref<16xi32, #tpu.memory_space<vmem>>, %arg15: memref<16xi32, #tpu.memory_space<vmem>>, %arg16: memref<16x256xf32, #tpu.memory_space<vmem>>, %arg17: memref<16x128xf32, #tpu.memory_space<vmem>>, %arg18: memref<16x128xf32, #tpu.memory_space<vmem>>, %arg19: memref<64xf32, #tpu.memory_space<vmem>>, %arg20: memref<10240xf32, #tpu.memory_space<vmem>>, %arg21: memref<10240x128xf32, #tpu.memory_space<vmem_shared>>, %arg22: memref<!tpu.dma_semaphore, #tpu.memory_space<semaphore_mem>>, %arg23: memref<!tpu.dma_semaphore, #tpu.memory_space<semaphore_mem>>, %arg24: memref<!tpu.dma_semaphore, #tpu.memory_space<semaphore_mem>>, %arg25: memref<!tpu.dma_semaphore, #tpu.memory_space<semaphore_mem>>, %arg26: memref<!tpu.dma_semaphore, #tpu.memory_space<semaphore_mem>>) attributes {dimension_semantics = [#tpu.dimension_semantics<core_parallel>, #tpu.dimension_semantics<subcore_parallel>], iteration_bounds = array<i64: 2, 16>, scalar_prefetch = 0 : i64, scratch_operands = 18 : i64, tpu.core_type = #tpu.core_type<sc_vector_subcore>, window_params = [{transform_indices = #map}, {transform_indices = #map}, {transform_indices = #map1}, {transform_indices = #map1}, {transform_indices = #map1}, {transform_indices = #map2}, {transform_indices = #map}]} {
    %mul3A = arith.constant 2 : i32
    %mul3A_0 = arith.muli %arg1, %mul3A : i32
    %add3A = arith.addi %mul3A_0, %arg0 : i32
    %iota3A = tpu.iota {dimensions = array<i32: 0>} : vector<16xi32>
    %broadcast_in_dim3A = arith.constant 0.000000e+00 : f32
    %broadcast_in_dim3A_1 = vector.broadcast %broadcast_in_dim3A : f32 to vector<16xf32>
    "tpu.region"() ({
      %run_scoped3A = tpu.sem_alloc : memref<!tpu.dma_semaphore, #tpu.memory_space<semaphore_mem>>
      tpu.enqueue_dma source(%arg4 : memref<64xf32, #tpu.memory_space<hbm>>) target(%arg19 : memref<64xf32, #tpu.memory_space<vmem>>) target_semaphore(%run_scoped3A : memref<!tpu.dma_semaphore, #tpu.memory_space<semaphore_mem>>)
      tpu.wait_dma2 semaphore(%run_scoped3A : memref<!tpu.dma_semaphore, #tpu.memory_space<semaphore_mem>>) src(%arg4 : memref<64xf32, #tpu.memory_space<hbm>>) dst(%arg19 : memref<64xf32, #tpu.memory_space<vmem>>)
      tpu.yield
    }) : () -> ()
    %scan3A = arith.constant 0 : i32
    %scan3A_2 = arith.constant 0 : i32
    %scan3A_3 = arith.constant 640 : i32
    %scan3A_4 = arith.addi %scan3A_2, %scan3A_3 : i32
    %scan3A_5 = arith.constant 1 : i32
    scf.for %scan3A_160 = %scan3A_2 to %scan3A_4 step %scan3A_5  : i32 {
      %mul3A_161 = arith.constant 16 : i32
      %mul3A_162 = arith.muli %scan3A_160, %mul3A_161 : i32
      %swap3A = arith.index_cast %mul3A_162 : i32 to index
      %swap3A_163 = tpu.vector_load %arg20[%swap3A] {strides = array<i32>} : memref<10240xf32, #tpu.memory_space<vmem>>, vector<16xf32>,
      tpu.vector_store %arg20[%swap3A], %broadcast_in_dim3A_1 {strides = array<i32>} : memref<10240xf32, #tpu.memory_space<vmem>>, vector<16xf32>,
    }
    %scan3A_6 = arith.constant 640 : i32
    %scan3A_7 = arith.constant 0 : i32
    %scan3A_8 = arith.constant 0 : i32
    %scan3A_9 = arith.constant 128 : i32
    %scan3A_10 = arith.addi %scan3A_8, %scan3A_9 : i32
    %scan3A_11 = arith.constant 1 : i32
    scf.for %scan3A_160 = %scan3A_8 to %scan3A_10 step %scan3A_11  : i32 {
      %jit3A_161 = arith.constant 8 : i32
      %div3A = arith.divsi %scan3A_160, %jit3A_161 : i32
      %sign3A = arith.constant 0 : i32
      %sign3A_162 = arith.cmpi sgt, %scan3A_160, %sign3A : i32
      %sign3A_163 = arith.extui %sign3A_162 : i1 to i32
      %sign3A_164 = arith.constant 0 : i32
      %sign3A_165 = arith.cmpi slt, %scan3A_160, %sign3A_164 : i32
      %sign3A_166 = arith.extui %sign3A_165 : i1 to i32
      %sign3A_167 = arith.subi %sign3A_163, %sign3A_166 : i32
      %sign3A_168 = arith.constant 0 : i32
      %sign3A_169 = arith.cmpi sgt, %jit3A_161, %sign3A_168 : i32
      %sign3A_170 = arith.extui %sign3A_169 : i1 to i32
      %sign3A_171 = arith.constant 0 : i32
      %sign3A_172 = arith.cmpi slt, %jit3A_161, %sign3A_171 : i32
      %sign3A_173 = arith.extui %sign3A_172 : i1 to i32
      %sign3A_174 = arith.subi %sign3A_170, %sign3A_173 : i32
      %ne3A_175 = arith.cmpi ne, %sign3A_167, %sign3A_174 : i32
      %rem3A = arith.remsi %scan3A_160, %jit3A_161 : i32
      %ne3A_176 = arith.constant 0 : i32
      %ne3A_177 = arith.cmpi ne, %rem3A, %ne3A_176 : i32
      %and3A = arith.andi %ne3A_175, %ne3A_177 : i1
      %sub3A_178 = arith.constant 1 : i32
      %sub3A_179 = arith.subi %div3A, %sub3A_178 : i32
      %select_n3A_180 = arith.select %and3A, %sub3A_179, %div3A : i32
      %jit3A_181 = arith.constant 8 : i32
      %eq3A_182 = arith.constant 0 : i32
      %eq3A_183 = arith.cmpi eq, %jit3A_181, %eq3A_182 : i32
      %jit3A_184 = arith.constant 1 : i32
      %select_n3A_185 = arith.select %eq3A_183, %jit3A_184, %jit3A_181 : i32
      %rem3A_186 = arith.remsi %scan3A_160, %select_n3A_185 : i32
      %ne3A_187 = arith.constant 0 : i32
      %ne3A_188 = arith.cmpi ne, %rem3A_186, %ne3A_187 : i32
      %lt3A = arith.constant 0 : i32
      %lt3A_189 = arith.cmpi slt, %rem3A_186, %lt3A : i32
      %lt3A_190 = arith.constant 0 : i32
      %lt3A_191 = arith.cmpi slt, %select_n3A_185, %lt3A_190 : i32
      %ne3A_192 = arith.xori %lt3A_189, %lt3A_191 : i1
      %and3A_193 = arith.andi %ne3A_192, %ne3A_188 : i1
      %add3A_194 = arith.addi %rem3A_186, %select_n3A_185 : i32
      %select_n3A_195 = arith.select %and3A_193, %add3A_194, %rem3A_186 : i32
      %mul3A_196 = arith.constant 16 : i32
      %mul3A_197 = arith.muli %mul3A_196, %select_n3A_195 : i32
      %swap3A = arith.index_cast %select_n3A_180 : i32 to index
      %swap3A_198 = arith.index_cast %mul3A_197 : i32 to index
      %swap3A_199 = tpu.vector_load %arg13[%swap3A, %swap3A_198] {strides = array<i32>} : memref<16x128xf32, #tpu.memory_space<vmem>>, vector<16xf32>,
      tpu.vector_store %arg13[%swap3A, %swap3A_198], %broadcast_in_dim3A_1 {strides = array<i32>} : memref<16x128xf32, #tpu.memory_space<vmem>>, vector<16xf32>,
    }
    %scan3A_12 = arith.constant 128 : i32
    %scan3A_13 = arith.constant 0 : i32
    %scan3A_14 = arith.constant 0 : i32
    %scan3A_15 = arith.constant 40 : i32
    %scan3A_16 = arith.addi %scan3A_14, %scan3A_15 : i32
    %scan3A_17 = arith.constant 1 : i32
    scf.for %scan3A_160 = %scan3A_14 to %scan3A_16 step %scan3A_17  : i32 {
      %mul3A_161 = arith.constant 640 : i32
      %mul3A_162 = arith.muli %arg1, %mul3A_161 : i32
      %mul3A_163 = arith.constant 16 : i32
      %mul3A_164 = arith.muli %scan3A_160, %mul3A_163 : i32
      %add3A_165 = arith.addi %mul3A_162, %mul3A_164 : i32
      "tpu.region"() ({
        %run_scoped3A = tpu.sem_alloc : memref<!tpu.dma_semaphore, #tpu.memory_space<semaphore_mem>>
        %dma_start3A_166 = arith.constant 0 : i32
        %dma_start3A_167 = tpu.memref_slice %arg21[%add3A_165, %dma_start3A_166] : memref<10240x128xf32, #tpu.memory_space<vmem_shared>> -> memref<16x128xf32, #tpu.memory_space<vmem_shared>>
        %dma_start3A_168 = arith.constant 0 : i32
        %dma_start3A_169 = tpu.memref_slice %arg21[%add3A_165, %dma_start3A_168] : memref<10240x128xf32, #tpu.memory_space<vmem_shared>> -> memref<16x128xf32, #tpu.memory_space<vmem_shared>>
        tpu.enqueue_dma source(%arg13 : memref<16x128xf32, #tpu.memory_space<vmem>>) target(%dma_start3A_169 : memref<16x128xf32, #tpu.memory_space<vmem_shared>>) target_semaphore(%run_scoped3A : memref<!tpu.dma_semaphore, #tpu.memory_space<semaphore_mem>>)
        %dma_wait3A_170 = arith.constant 0 : i32
        %dma_wait3A_171 = tpu.memref_slice %arg21[%add3A_165, %dma_wait3A_170] : memref<10240x128xf32, #tpu.memory_space<vmem_shared>> -> memref<16x128xf32, #tpu.memory_space<vmem_shared>>
        %dma_wait3A_172 = arith.constant 0 : i32
        %dma_wait3A_173 = tpu.memref_slice %arg21[%add3A_165, %dma_wait3A_172] : memref<10240x128xf32, #tpu.memory_space<vmem_shared>> -> memref<16x128xf32, #tpu.memory_space<vmem_shared>>
        tpu.wait_dma2 semaphore(%run_scoped3A : memref<!tpu.dma_semaphore, #tpu.memory_space<semaphore_mem>>) src(%arg13 : memref<16x128xf32, #tpu.memory_space<vmem>>) dst(%dma_wait3A_173 : memref<16x128xf32, #tpu.memory_space<vmem_shared>>)
        tpu.yield
      }) : () -> ()
    }
    %scan3A_18 = arith.constant 40 : i32
    %barrier3A = arith.constant 0 : index
    tpu.barrier barrier_id(%barrier3A)
    %get3A = arith.constant 0 : index
    %get3A_19 = tpu.vector_load %arg19[%get3A] {strides = array<i32>} : memref<64xf32, #tpu.memory_space<vmem>>, vector<16xf32>,
    %get3A_20 = arith.constant 16 : index
    %get3A_21 = tpu.vector_load %arg19[%get3A_20] {strides = array<i32>} : memref<64xf32, #tpu.memory_space<vmem>>, vector<16xf32>,
    %get3A_22 = arith.constant 32 : index
    %get3A_23 = tpu.vector_load %arg19[%get3A_22] {strides = array<i32>} : memref<64xf32, #tpu.memory_space<vmem>>, vector<16xf32>,
    %get3A_24 = arith.constant 48 : index
    %get3A_25 = tpu.vector_load %arg19[%get3A_24] {strides = array<i32>} : memref<64xf32, #tpu.memory_space<vmem>>, vector<16xf32>,
    %xor3A = arith.constant 8 : i32
    %xor3A_26 = vector.broadcast %xor3A : i32 to vector<16xi32>
    %xor3A_27 = arith.xori %iota3A, %xor3A_26 : vector<16xi32>
    %xor3A_28 = arith.constant 4 : i32
    %xor3A_29 = vector.broadcast %xor3A_28 : i32 to vector<16xi32>
    %xor3A_30 = arith.xori %iota3A, %xor3A_29 : vector<16xi32>
    %xor3A_31 = arith.constant 2 : i32
    %xor3A_32 = vector.broadcast %xor3A_31 : i32 to vector<16xi32>
    %xor3A_33 = arith.xori %iota3A, %xor3A_32 : vector<16xi32>
    %xor3A_34 = arith.constant 1 : i32
    %xor3A_35 = vector.broadcast %xor3A_34 : i32 to vector<16xi32>
    %xor3A_36 = arith.xori %iota3A, %xor3A_35 : vector<16xi32>
    %sub3A = arith.constant 1 : i32
    %sub3A_37 = vector.broadcast %sub3A : i32 to vector<16xi32>
    %sub3A_38 = arith.subi %iota3A, %sub3A_37 : vector<16xi32>
    %max3A = arith.constant 0 : i32
    %max3A_39 = vector.broadcast %max3A : i32 to vector<16xi32>
    %max3A_40 = arith.maxsi %sub3A_38, %max3A_39 : vector<16xi32>
    %add3A_41 = arith.constant 1 : i32
    %add3A_42 = vector.broadcast %add3A_41 : i32 to vector<16xi32>
    %add3A_43 = arith.addi %iota3A, %add3A_42 : vector<16xi32>
    %min3A = arith.constant 15 : i32
    %min3A_44 = vector.broadcast %min3A : i32 to vector<16xi32>
    %min3A_45 = arith.minsi %add3A_43, %min3A_44 : vector<16xi32>
    %scan3A_46 = arith.constant 0 : i32
    %scan3A_47 = arith.constant 0 : i32
    %scan3A_48 = arith.constant 312 : i32
    %scan3A_49 = arith.addi %scan3A_47, %scan3A_48 : i32
    %scan3A_50 = arith.constant 1 : i32
    scf.for %scan3A_160 = %scan3A_47 to %scan3A_49 step %scan3A_50  : i32 {
      %mul3A_161 = arith.constant 10000 : i32
      %mul3A_162 = arith.muli %add3A, %mul3A_161 : i32
      %mul3A_163 = arith.constant 2 : i32
      %mul3A_164 = arith.muli %scan3A_160, %mul3A_163 : i32
      %mul3A_165 = arith.constant 16 : i32
      %mul3A_166 = arith.muli %mul3A_164, %mul3A_165 : i32
      %add3A_167 = arith.addi %mul3A_162, %mul3A_166 : i32
      %dma_start3A_168 = tpu.memref_slice %arg5[%add3A_167] : memref<320000xi32, #tpu.memory_space<hbm>> -> memref<16xi32, #tpu.memory_space<hbm>>
      %dma_start3A_169 = tpu.memref_slice %arg5[%add3A_167] : memref<320000xi32, #tpu.memory_space<hbm>> -> memref<16xi32, #tpu.memory_space<hbm>>
      tpu.enqueue_dma source(%dma_start3A_169 : memref<16xi32, #tpu.memory_space<hbm>>) target(%arg9 : memref<16xi32, #tpu.memory_space<vmem>>) target_semaphore(%arg22 : memref<!tpu.dma_semaphore, #tpu.memory_space<semaphore_mem>>)
      %dma_start3A_170 = tpu.memref_slice %arg6[%add3A_167] : memref<320000xi32, #tpu.memory_space<hbm>> -> memref<16xi32, #tpu.memory_space<hbm>>
      %dma_start3A_171 = tpu.memref_slice %arg6[%add3A_167] : memref<320000xi32, #tpu.memory_space<hbm>> -> memref<16xi32, #tpu.memory_space<hbm>>
      tpu.enqueue_dma source(%dma_start3A_171 : memref<16xi32, #tpu.memory_space<hbm>>) target(%arg10 : memref<16xi32, #tpu.memory_space<vmem>>) target_semaphore(%arg22 : memref<!tpu.dma_semaphore, #tpu.memory_space<semaphore_mem>>)
      %add3A_172 = arith.constant 16 : i32
      %add3A_173 = arith.addi %add3A_167, %add3A_172 : i32
      %dma_start3A_174 = tpu.memref_slice %arg5[%add3A_173] : memref<320000xi32, #tpu.memory_space<hbm>> -> memref<16xi32, #tpu.memory_space<hbm>>
      %dma_start3A_175 = tpu.memref_slice %arg5[%add3A_173] : memref<320000xi32, #tpu.memory_space<hbm>> -> memref<16xi32, #tpu.memory_space<hbm>>
      tpu.enqueue_dma source(%dma_start3A_175 : memref<16xi32, #tpu.memory_space<hbm>>) target(%arg14 : memref<16xi32, #tpu.memory_space<vmem>>) target_semaphore(%arg23 : memref<!tpu.dma_semaphore, #tpu.memory_space<semaphore_mem>>)
      %add3A_176 = arith.constant 16 : i32
      %add3A_177 = arith.addi %add3A_167, %add3A_176 : i32
      %dma_start3A_178 = tpu.memref_slice %arg6[%add3A_177] : memref<320000xi32, #tpu.memory_space<hbm>> -> memref<16xi32, #tpu.memory_space<hbm>>
      %dma_start3A_179 = tpu.memref_slice %arg6[%add3A_177] : memref<320000xi32, #tpu.memory_space<hbm>> -> memref<16xi32, #tpu.memory_space<hbm>>
      tpu.enqueue_dma source(%dma_start3A_179 : memref<16xi32, #tpu.memory_space<hbm>>) target(%arg15 : memref<16xi32, #tpu.memory_space<vmem>>) target_semaphore(%arg23 : memref<!tpu.dma_semaphore, #tpu.memory_space<semaphore_mem>>)
      %dma_wait3A_180 = tpu.memref_slice %arg5[%add3A_167] : memref<320000xi32, #tpu.memory_space<hbm>> -> memref<16xi32, #tpu.memory_space<hbm>>
      %dma_wait3A_181 = tpu.memref_slice %arg5[%add3A_167] : memref<320000xi32, #tpu.memory_space<hbm>> -> memref<16xi32, #tpu.memory_space<hbm>>
      tpu.wait_dma2 semaphore(%arg22 : memref<!tpu.dma_semaphore, #tpu.memory_space<semaphore_mem>>) src(%dma_wait3A_181 : memref<16xi32, #tpu.memory_space<hbm>>) dst(%arg9 : memref<16xi32, #tpu.memory_space<vmem>>)
      %dma_wait3A_182 = tpu.memref_slice %arg6[%add3A_167] : memref<320000xi32, #tpu.memory_space<hbm>> -> memref<16xi32, #tpu.memory_space<hbm>>
      %dma_wait3A_183 = tpu.memref_slice %arg6[%add3A_167] : memref<320000xi32, #tpu.memory_space<hbm>> -> memref<16xi32, #tpu.memory_space<hbm>>
      tpu.wait_dma2 semaphore(%arg22 : memref<!tpu.dma_semaphore, #tpu.memory_space<semaphore_mem>>) src(%dma_wait3A_183 : memref<16xi32, #tpu.memory_space<hbm>>) dst(%arg10 : memref<16xi32, #tpu.memory_space<vmem>>)
      %dma_start3A_184 = arith.constant 0 : i32
      %dma_start3A_185 = arith.constant 0 : i32
      %dma_start3A_186 = tpu.memref_slice %arg2[%dma_start3A_184, %dma_start3A_185] : memref<15000x256xf32, #tpu.memory_space<hbm>> -> memref<15000x256xf32, #tpu.memory_space<hbm>>
      tpu.enqueue_indirect_dma source(%dma_start3A_186 : memref<15000x256xf32, #tpu.memory_space<hbm>>) target(%arg11 : memref<16x256xf32, #tpu.memory_space<vmem>>) offsets(%arg9 : memref<16xi32, #tpu.memory_space<vmem>>) semaphore(%arg24 : memref<!tpu.dma_semaphore, #tpu.memory_space<semaphore_mem>>)
      %dma_start3A_187 = arith.constant 0 : i32
      %dma_start3A_188 = arith.constant 0 : i32
      %dma_start3A_189 = tpu.memref_slice %arg3[%dma_start3A_187, %dma_start3A_188] : memref<10000x128xf32, #tpu.memory_space<hbm>> -> memref<10000x128xf32, #tpu.memory_space<hbm>>
      tpu.enqueue_indirect_dma source(%dma_start3A_189 : memref<10000x128xf32, #tpu.memory_space<hbm>>) target(%arg12 : memref<16x128xf32, #tpu.memory_space<vmem>>) offsets(%arg10 : memref<16xi32, #tpu.memory_space<vmem>>) semaphore(%arg24 : memref<!tpu.dma_semaphore, #tpu.memory_space<semaphore_mem>>)
      %dma_wait3A_190 = tpu.memref_slice %arg5[%add3A_173] : memref<320000xi32, #tpu.memory_space<hbm>> -> memref<16xi32, #tpu.memory_space<hbm>>
      %dma_wait3A_191 = tpu.memref_slice %arg5[%add3A_173] : memref<320000xi32, #tpu.memory_space<hbm>> -> memref<16xi32, #tpu.memory_space<hbm>>
      tpu.wait_dma2 semaphore(%arg23 : memref<!tpu.dma_semaphore, #tpu.memory_space<semaphore_mem>>) src(%dma_wait3A_191 : memref<16xi32, #tpu.memory_space<hbm>>) dst(%arg14 : memref<16xi32, #tpu.memory_space<vmem>>)
      %dma_wait3A_192 = tpu.memref_slice %arg6[%add3A_177] : memref<320000xi32, #tpu.memory_space<hbm>> -> memref<16xi32, #tpu.memory_space<hbm>>
      %dma_wait3A_193 = tpu.memref_slice %arg6[%add3A_177] : memref<320000xi32, #tpu.memory_space<hbm>> -> memref<16xi32, #tpu.memory_space<hbm>>
      tpu.wait_dma2 semaphore(%arg23 : memref<!tpu.dma_semaphore, #tpu.memory_space<semaphore_mem>>) src(%dma_wait3A_193 : memref<16xi32, #tpu.memory_space<hbm>>) dst(%arg15 : memref<16xi32, #tpu.memory_space<vmem>>)
      %dma_start3A_194 = arith.constant 0 : i32
      %dma_start3A_195 = arith.constant 0 : i32
      %dma_start3A_196 = tpu.memref_slice %arg2[%dma_start3A_194, %dma_start3A_195] : memref<15000x256xf32, #tpu.memory_space<hbm>> -> memref<15000x256xf32, #tpu.memory_space<hbm>>
      tpu.enqueue_indirect_dma source(%dma_start3A_196 : memref<15000x256xf32, #tpu.memory_space<hbm>>) target(%arg16 : memref<16x256xf32, #tpu.memory_space<vmem>>) offsets(%arg14 : memref<16xi32, #tpu.memory_space<vmem>>) semaphore(%arg25 : memref<!tpu.dma_semaphore, #tpu.memory_space<semaphore_mem>>)
      %dma_start3A_197 = arith.constant 0 : i32
      %dma_start3A_198 = arith.constant 0 : i32
      %dma_start3A_199 = tpu.memref_slice %arg3[%dma_start3A_197, %dma_start3A_198] : memref<10000x128xf32, #tpu.memory_space<hbm>> -> memref<10000x128xf32, #tpu.memory_space<hbm>>
      tpu.enqueue_indirect_dma source(%dma_start3A_199 : memref<10000x128xf32, #tpu.memory_space<hbm>>) target(%arg17 : memref<16x128xf32, #tpu.memory_space<vmem>>) offsets(%arg15 : memref<16xi32, #tpu.memory_space<vmem>>) semaphore(%arg25 : memref<!tpu.dma_semaphore, #tpu.memory_space<semaphore_mem>>)
      %dma_wait3A_200 = arith.constant 0 : i32
      %dma_wait3A_201 = arith.constant 0 : i32
      %dma_wait3A_202 = tpu.memref_slice %arg2[%dma_wait3A_200, %dma_wait3A_201] : memref<15000x256xf32, #tpu.memory_space<hbm>> -> memref<15000x256xf32, #tpu.memory_space<hbm>>
      tpu.wait_indirect_dma semaphore(%arg24 : memref<!tpu.dma_semaphore, #tpu.memory_space<semaphore_mem>>) src(%dma_wait3A_202 : memref<15000x256xf32, #tpu.memory_space<hbm>>) dst(%arg11 : memref<16x256xf32, #tpu.memory_space<vmem>>)
      %dma_wait3A_203 = arith.constant 0 : i32
      %dma_wait3A_204 = arith.constant 0 : i32
      %dma_wait3A_205 = tpu.memref_slice %arg3[%dma_wait3A_203, %dma_wait3A_204] : memref<10000x128xf32, #tpu.memory_space<hbm>> -> memref<10000x128xf32, #tpu.memory_space<hbm>>
      tpu.wait_indirect_dma semaphore(%arg24 : memref<!tpu.dma_semaphore, #tpu.memory_space<semaphore_mem>>) src(%dma_wait3A_205 : memref<10000x128xf32, #tpu.memory_space<hbm>>) dst(%arg12 : memref<16x128xf32, #tpu.memory_space<vmem>>)
      %scan3A_206 = arith.constant 0 : i32
      %scan3A_207 = arith.constant 16 : i32
      %scan3A_208 = arith.addi %scan3A_206, %scan3A_207 : i32
      %scan3A_209 = arith.constant 1 : i32
      scf.for %scan3A_406 = %scan3A_206 to %scan3A_208 step %scan3A_209  : i32 {
        %get3A_407 = arith.index_cast %scan3A_406 : i32 to index
        %get3A_408 = arith.constant 0 : index
        %get3A_409 = tpu.vector_load %arg11[%get3A_407, %get3A_408] {strides = array<i32>} : memref<16x256xf32, #tpu.memory_space<vmem>>, vector<16xf32>,
        %swap3A = arith.index_cast %scan3A_406 : i32 to index
        %swap3A_410 = arith.constant 0 : index
        %swap3A_411 = tpu.vector_load %arg13[%swap3A, %swap3A_410] {strides = array<i32>} : memref<16x128xf32, #tpu.memory_space<vmem>>, vector<16xf32>,
        tpu.vector_store %arg13[%swap3A, %swap3A_410], %get3A_409 {strides = array<i32>} : memref<16x128xf32, #tpu.memory_space<vmem>>, vector<16xf32>,
        %get3A_412 = arith.index_cast %scan3A_406 : i32 to index
        %get3A_413 = arith.constant 16 : index
        %get3A_414 = tpu.vector_load %arg11[%get3A_412, %get3A_413] {strides = array<i32>} : memref<16x256xf32, #tpu.memory_space<vmem>>, vector<16xf32>,
        %swap3A_415 = arith.index_cast %scan3A_406 : i32 to index
        %swap3A_416 = arith.constant 16 : index
        %swap3A_417 = tpu.vector_load %arg13[%swap3A_415, %swap3A_416] {strides = array<i32>} : memref<16x128xf32, #tpu.memory_space<vmem>>, vector<16xf32>,
        tpu.vector_store %arg13[%swap3A_415, %swap3A_416], %get3A_414 {strides = array<i32>} : memref<16x128xf32, #tpu.memory_space<vmem>>, vector<16xf32>,
        %get3A_418 = arith.index_cast %scan3A_406 : i32 to index
        %get3A_419 = arith.constant 32 : index
        %get3A_420 = tpu.vector_load %arg11[%get3A_418, %get3A_419] {strides = array<i32>} : memref<16x256xf32, #tpu.memory_space<vmem>>, vector<16xf32>,
        %swap3A_421 = arith.index_cast %scan3A_406 : i32 to index
        %swap3A_422 = arith.constant 32 : index
        %swap3A_423 = tpu.vector_load %arg13[%swap3A_421, %swap3A_422] {strides = array<i32>} : memref<16x128xf32, #tpu.memory_space<vmem>>, vector<16xf32>,
        tpu.vector_store %arg13[%swap3A_421, %swap3A_422], %get3A_420 {strides = array<i32>} : memref<16x128xf32, #tpu.memory_space<vmem>>, vector<16xf32>,
        %get3A_424 = arith.index_cast %scan3A_406 : i32 to index
        %get3A_425 = arith.constant 48 : index
        %get3A_426 = tpu.vector_load %arg11[%get3A_424, %get3A_425] {strides = array<i32>} : memref<16x256xf32, #tpu.memory_space<vmem>>, vector<16xf32>,
        %swap3A_427 = arith.index_cast %scan3A_406 : i32 to index
        %swap3A_428 = arith.constant 48 : index
        %swap3A_429 = tpu.vector_load %arg13[%swap3A_427, %swap3A_428] {strides = array<i32>} : memref<16x128xf32, #tpu.memory_space<vmem>>, vector<16xf32>,
        tpu.vector_store %arg13[%swap3A_427, %swap3A_428], %get3A_426 {strides = array<i32>} : memref<16x128xf32, #tpu.memory_space<vmem>>, vector<16xf32>,
        %get3A_430 = arith.index_cast %scan3A_406 : i32 to index
        %get3A_431 = arith.constant 64 : index
        %get3A_432 = tpu.vector_load %arg11[%get3A_430, %get3A_431] {strides = array<i32>} : memref<16x256xf32, #tpu.memory_space<vmem>>, vector<16xf32>,
        %swap3A_433 = arith.index_cast %scan3A_406 : i32 to index
        %swap3A_434 = arith.constant 64 : index
        %swap3A_435 = tpu.vector_load %arg13[%swap3A_433, %swap3A_434] {strides = array<i32>} : memref<16x128xf32, #tpu.memory_space<vmem>>, vector<16xf32>,
        tpu.vector_store %arg13[%swap3A_433, %swap3A_434], %get3A_432 {strides = array<i32>} : memref<16x128xf32, #tpu.memory_space<vmem>>, vector<16xf32>,
        %get3A_436 = arith.index_cast %scan3A_406 : i32 to index
        %get3A_437 = arith.constant 80 : index
        %get3A_438 = tpu.vector_load %arg11[%get3A_436, %get3A_437] {strides = array<i32>} : memref<16x256xf32, #tpu.memory_space<vmem>>, vector<16xf32>,
        %swap3A_439 = arith.index_cast %scan3A_406 : i32 to index
        %swap3A_440 = arith.constant 80 : index
        %swap3A_441 = tpu.vector_load %arg13[%swap3A_439, %swap3A_440] {strides = array<i32>} : memref<16x128xf32, #tpu.memory_space<vmem>>, vector<16xf32>,
        tpu.vector_store %arg13[%swap3A_439, %swap3A_440], %get3A_438 {strides = array<i32>} : memref<16x128xf32, #tpu.memory_space<vmem>>, vector<16xf32>,
        %get3A_442 = arith.index_cast %scan3A_406 : i32 to index
        %get3A_443 = arith.constant 96 : index
        %get3A_444 = tpu.vector_load %arg11[%get3A_442, %get3A_443] {strides = array<i32>} : memref<16x256xf32, #tpu.memory_space<vmem>>, vector<16xf32>,
        %swap3A_445 = arith.index_cast %scan3A_406 : i32 to index
        %swap3A_446 = arith.constant 96 : index
        %swap3A_447 = tpu.vector_load %arg13[%swap3A_445, %swap3A_446] {strides = array<i32>} : memref<16x128xf32, #tpu.memory_space<vmem>>, vector<16xf32>,
        tpu.vector_store %arg13[%swap3A_445, %swap3A_446], %get3A_444 {strides = array<i32>} : memref<16x128xf32, #tpu.memory_space<vmem>>, vector<16xf32>,
        %get3A_448 = arith.index_cast %scan3A_406 : i32 to index
        %get3A_449 = arith.constant 112 : index
        %get3A_450 = tpu.vector_load %arg11[%get3A_448, %get3A_449] {strides = array<i32>} : memref<16x256xf32, #tpu.memory_space<vmem>>, vector<16xf32>,
        %swap3A_451 = arith.index_cast %scan3A_406 : i32 to index
        %swap3A_452 = arith.constant 112 : index
        %swap3A_453 = tpu.vector_load %arg13[%swap3A_451, %swap3A_452] {strides = array<i32>} : memref<16x128xf32, #tpu.memory_space<vmem>>, vector<16xf32>,
        tpu.vector_store %arg13[%swap3A_451, %swap3A_452], %get3A_450 {strides = array<i32>} : memref<16x128xf32, #tpu.memory_space<vmem>>, vector<16xf32>,
      }
      %scan3A_210 = arith.constant 16 : i32
      %get3A_211 = arith.constant 0 : index
      %get3A_212 = tpu.vector_load %arg10[%get3A_211] {strides = array<i32>} : memref<16xi32, #tpu.memory_space<vmem>>, vector<16xi32>,
      %sub3A_213 = arith.constant 1 : i32
      %sub3A_214 = vector.broadcast %sub3A_213 : i32 to vector<16xi32>
      %sub3A_215 = arith.subi %iota3A, %sub3A_214 : vector<16xi32>
      %max3A_216 = arith.constant 0 : i32
      %max3A_217 = vector.broadcast %max3A_216 : i32 to vector<16xi32>
      %max3A_218 = arith.maxsi %sub3A_215, %max3A_217 : vector<16xi32>
      %broadcast_in_dim3A_219 = vector.shape_cast %max3A_218 : vector<16xi32> to vector<16x1xi32>
      %gather3A_220 = vector.shape_cast %broadcast_in_dim3A_219 : vector<16x1xi32> to vector<16xi32>
      %gather3A_221 = tpu.dynamic_gather %broadcast_in_dim3A_1[%gather3A_220] in [0] : vector<16xf32>, vector<16xi32> -> vector<16xf32>
      %ge3A_222 = arith.constant 1 : i32
      %ge3A_223 = vector.broadcast %ge3A_222 : i32 to vector<16xi32>
      %ge3A_224 = arith.cmpi sge, %iota3A, %ge3A_223 : vector<16xi32>
      %jit3A_225 = arith.constant 0.000000e+00 : f32
      %broadcast_in_dim3A_226 = vector.broadcast %jit3A_225 : f32 to vector<16xf32>
      %select_n3A_227 = arith.select %ge3A_224, %gather3A_221, %broadcast_in_dim3A_226 : vector<16xi1>, vector<16xf32>
      %add3A_228 = arith.addf %broadcast_in_dim3A_1, %select_n3A_227 : vector<16xf32>
      %sub3A_229 = arith.constant 2 : i32
      %sub3A_230 = vector.broadcast %sub3A_229 : i32 to vector<16xi32>
      %sub3A_231 = arith.subi %iota3A, %sub3A_230 : vector<16xi32>
      %max3A_232 = arith.constant 0 : i32
      %max3A_233 = vector.broadcast %max3A_232 : i32 to vector<16xi32>
      %max3A_234 = arith.maxsi %sub3A_231, %max3A_233 : vector<16xi32>
      %broadcast_in_dim3A_235 = vector.shape_cast %max3A_234 : vector<16xi32> to vector<16x1xi32>
      %gather3A_236 = vector.shape_cast %broadcast_in_dim3A_235 : vector<16x1xi32> to vector<16xi32>
      %gather3A_237 = tpu.dynamic_gather %add3A_228[%gather3A_236] in [0] : vector<16xf32>, vector<16xi32> -> vector<16xf32>
      %ge3A_238 = arith.constant 2 : i32
      %ge3A_239 = vector.broadcast %ge3A_238 : i32 to vector<16xi32>
      %ge3A_240 = arith.cmpi sge, %iota3A, %ge3A_239 : vector<16xi32>
      %jit3A_241 = arith.constant 0.000000e+00 : f32
      %broadcast_in_dim3A_242 = vector.broadcast %jit3A_241 : f32 to vector<16xf32>
      %select_n3A_243 = arith.select %ge3A_240, %gather3A_237, %broadcast_in_dim3A_242 : vector<16xi1>, vector<16xf32>
      %add3A_244 = arith.addf %add3A_228, %select_n3A_243 : vector<16xf32>
      %sub3A_245 = arith.constant 4 : i32
      %sub3A_246 = vector.broadcast %sub3A_245 : i32 to vector<16xi32>
      %sub3A_247 = arith.subi %iota3A, %sub3A_246 : vector<16xi32>
      %max3A_248 = arith.constant 0 : i32
      %max3A_249 = vector.broadcast %max3A_248 : i32 to vector<16xi32>
      %max3A_250 = arith.maxsi %sub3A_247, %max3A_249 : vector<16xi32>
      %broadcast_in_dim3A_251 = vector.shape_cast %max3A_250 : vector<16xi32> to vector<16x1xi32>
      %gather3A_252 = vector.shape_cast %broadcast_in_dim3A_251 : vector<16x1xi32> to vector<16xi32>
      %gather3A_253 = tpu.dynamic_gather %add3A_244[%gather3A_252] in [0] : vector<16xf32>, vector<16xi32> -> vector<16xf32>
      %ge3A_254 = arith.constant 4 : i32
      %ge3A_255 = vector.broadcast %ge3A_254 : i32 to vector<16xi32>
      %ge3A_256 = arith.cmpi sge, %iota3A, %ge3A_255 : vector<16xi32>
      %jit3A_257 = arith.constant 0.000000e+00 : f32
      %broadcast_in_dim3A_258 = vector.broadcast %jit3A_257 : f32 to vector<16xf32>
      %select_n3A_259 = arith.select %ge3A_256, %gather3A_253, %broadcast_in_dim3A_258 : vector<16xi1>, vector<16xf32>
      %add3A_260 = arith.addf %add3A_244, %select_n3A_259 : vector<16xf32>
      %sub3A_261 = arith.constant 8 : i32
      %sub3A_262 = vector.broadcast %sub3A_261 : i32 to vector<16xi32>
      %sub3A_263 = arith.subi %iota3A, %sub3A_262 : vector<16xi32>
      %max3A_264 = arith.constant 0 : i32
      %max3A_265 = vector.broadcast %max3A_264 : i32 to vector<16xi32>
      %max3A_266 = arith.maxsi %sub3A_263, %max3A_265 : vector<16xi32>
      %broadcast_in_dim3A_267 = vector.shape_cast %max3A_266 : vector<16xi32> to vector<16x1xi32>
      %gather3A_268 = vector.shape_cast %broadcast_in_dim3A_267 : vector<16x1xi32> to vector<16xi32>
      %gather3A_269 = tpu.dynamic_gather %add3A_260[%gather3A_268] in [0] : vector<16xf32>, vector<16xi32> -> vector<16xf32>
      %ge3A_270 = arith.constant 8 : i32
      %ge3A_271 = vector.broadcast %ge3A_270 : i32 to vector<16xi32>
      %ge3A_272 = arith.cmpi sge, %iota3A, %ge3A_271 : vector<16xi32>
      %jit3A_273 = arith.constant 0.000000e+00 : f32
      %broadcast_in_dim3A_274 = vector.broadcast %jit3A_273 : f32 to vector<16xf32>
      %select_n3A_275 = arith.select %ge3A_272, %gather3A_269, %broadcast_in_dim3A_274 : vector<16xi1>, vector<16xf32>
      %add3A_276 = arith.addf %add3A_260, %select_n3A_275 : vector<16xf32>
      %sub3A_277 = arith.subf %add3A_276, %broadcast_in_dim3A_1 : vector<16xf32>
      %eq3A_278 = arith.constant 0 : i32
      %eq3A_279 = vector.broadcast %eq3A_278 : i32 to vector<16xi32>
      %eq3A_280 = arith.cmpi eq, %iota3A, %eq3A_279 : vector<16xi32>
      %broadcast_in_dim3A_281 = vector.shape_cast %max3A_40 : vector<16xi32> to vector<16x1xi32>
      %gather3A_282 = vector.shape_cast %broadcast_in_dim3A_281 : vector<16x1xi32> to vector<16xi32>
      %gather3A_283 = tpu.dynamic_gather %get3A_212[%gather3A_282] in [0] : vector<16xi32>, vector<16xi32> -> vector<16xi32>
      %ne3A_284 = arith.cmpi ne, %get3A_212, %gather3A_283 : vector<16xi32>
      %or3A_285 = arith.ori %eq3A_280, %ne3A_284 : vector<16xi1>
      %eq3A_286 = arith.constant 15 : i32
      %eq3A_287 = vector.broadcast %eq3A_286 : i32 to vector<16xi32>
      %eq3A_288 = arith.cmpi eq, %iota3A, %eq3A_287 : vector<16xi32>
      %broadcast_in_dim3A_289 = vector.shape_cast %min3A_45 : vector<16xi32> to vector<16x1xi32>
      %gather3A_290 = vector.shape_cast %broadcast_in_dim3A_289 : vector<16x1xi32> to vector<16xi32>
      %gather3A_291 = tpu.dynamic_gather %get3A_212[%gather3A_290] in [0] : vector<16xi32>, vector<16xi32> -> vector<16xi32>
      %ne3A_292 = arith.cmpi ne, %get3A_212, %gather3A_291 : vector<16xi32>
      %or3A_293 = arith.ori %eq3A_288, %ne3A_292 : vector<16xi1>
      tpu.vector_store_idx %arg20[%get3A_212], %add3A_276 masked %or3A_293 {add = true} : memref<10240xf32, #tpu.memory_space<vmem>>[vector<16xi32>], vector<16xf32>, vector<16xi1>
      %neg3A_294 = arith.constant 0.000000e+00 : f32
      %neg3A_295 = vector.broadcast %neg3A_294 : f32 to vector<16xf32>
      %neg3A_296 = arith.subf %neg3A_295, %sub3A_277 : vector<16xf32>
      tpu.vector_store_idx %arg20[%get3A_212], %neg3A_296 masked %or3A_285 {add = true} : memref<10240xf32, #tpu.memory_space<vmem>>[vector<16xi32>], vector<16xf32>, vector<16xi1>
      %dma_start3A_297 = arith.constant 0 : i32
      %dma_start3A_298 = arith.constant 0 : i32
      %dma_start3A_299 = tpu.memref_slice %arg21[%dma_start3A_297, %dma_start3A_298] : memref<10240x128xf32, #tpu.memory_space<vmem_shared>> -> memref<10240x128xf32, #tpu.memory_space<vmem_shared>>
      tpu.enqueue_indirect_dma source(%arg13 : memref<16x128xf32, #tpu.memory_space<vmem>>) target(%dma_start3A_299 : memref<10240x128xf32, #tpu.memory_space<vmem_shared>>) offsets(%get3A_212 : vector<16xi32>) semaphore(%arg26 : memref<!tpu.dma_semaphore, #tpu.memory_space<semaphore_mem>>) {add = true}
      %dma_wait3A_300 = arith.constant 0 : i32
      %dma_wait3A_301 = arith.constant 0 : i32
      %dma_wait3A_302 = tpu.memref_slice %arg2[%dma_wait3A_300, %dma_wait3A_301] : memref<15000x256xf32, #tpu.memory_space<hbm>> -> memref<15000x256xf32, #tpu.memory_space<hbm>>
      tpu.wait_indirect_dma semaphore(%arg25 : memref<!tpu.dma_semaphore, #tpu.memory_space<semaphore_mem>>) src(%dma_wait3A_302 : memref<15000x256xf32, #tpu.memory_space<hbm>>) dst(%arg16 : memref<16x256xf32, #tpu.memory_space<vmem>>)
      %dma_wait3A_303 = arith.constant 0 : i32
      %dma_wait3A_304 = arith.constant 0 : i32
      %dma_wait3A_305 = tpu.memref_slice %arg3[%dma_wait3A_303, %dma_wait3A_304] : memref<10000x128xf32, #tpu.memory_space<hbm>> -> memref<10000x128xf32, #tpu.memory_space<hbm>>
      tpu.wait_indirect_dma semaphore(%arg25 : memref<!tpu.dma_semaphore, #tpu.memory_space<semaphore_mem>>) src(%dma_wait3A_305 : memref<10000x128xf32, #tpu.memory_space<hbm>>) dst(%arg17 : memref<16x128xf32, #tpu.memory_space<vmem>>)
      %scan3A_306 = arith.constant 0 : i32
      %scan3A_307 = arith.constant 16 : i32
      %scan3A_308 = arith.addi %scan3A_306, %scan3A_307 : i32
      %scan3A_309 = arith.constant 1 : i32
      scf.for %scan3A_406 = %scan3A_306 to %scan3A_308 step %scan3A_309  : i32 {
        %get3A_407 = arith.index_cast %scan3A_406 : i32 to index
        %get3A_408 = arith.constant 0 : index
        %get3A_409 = tpu.vector_load %arg16[%get3A_407, %get3A_408] {strides = array<i32>} : memref<16x256xf32, #tpu.memory_space<vmem>>, vector<16xf32>,
        %swap3A = arith.index_cast %scan3A_406 : i32 to index
        %swap3A_410 = arith.constant 0 : index
        %swap3A_411 = tpu.vector_load %arg18[%swap3A, %swap3A_410] {strides = array<i32>} : memref<16x128xf32, #tpu.memory_space<vmem>>, vector<16xf32>,
        tpu.vector_store %arg18[%swap3A, %swap3A_410], %get3A_409 {strides = array<i32>} : memref<16x128xf32, #tpu.memory_space<vmem>>, vector<16xf32>,
        %get3A_412 = arith.index_cast %scan3A_406 : i32 to index
        %get3A_413 = arith.constant 16 : index
        %get3A_414 = tpu.vector_load %arg16[%get3A_412, %get3A_413] {strides = array<i32>} : memref<16x256xf32, #tpu.memory_space<vmem>>, vector<16xf32>,
        %swap3A_415 = arith.index_cast %scan3A_406 : i32 to index
        %swap3A_416 = arith.constant 16 : index
        %swap3A_417 = tpu.vector_load %arg18[%swap3A_415, %swap3A_416] {strides = array<i32>} : memref<16x128xf32, #tpu.memory_space<vmem>>, vector<16xf32>,
        tpu.vector_store %arg18[%swap3A_415, %swap3A_416], %get3A_414 {strides = array<i32>} : memref<16x128xf32, #tpu.memory_space<vmem>>, vector<16xf32>,
        %get3A_418 = arith.index_cast %scan3A_406 : i32 to index
        %get3A_419 = arith.constant 32 : index
        %get3A_420 = tpu.vector_load %arg16[%get3A_418, %get3A_419] {strides = array<i32>} : memref<16x256xf32, #tpu.memory_space<vmem>>, vector<16xf32>,
        %swap3A_421 = arith.index_cast %scan3A_406 : i32 to index
        %swap3A_422 = arith.constant 32 : index
        %swap3A_423 = tpu.vector_load %arg18[%swap3A_421, %swap3A_422] {strides = array<i32>} : memref<16x128xf32, #tpu.memory_space<vmem>>, vector<16xf32>,
        tpu.vector_store %arg18[%swap3A_421, %swap3A_422], %get3A_420 {strides = array<i32>} : memref<16x128xf32, #tpu.memory_space<vmem>>, vector<16xf32>,
        %get3A_424 = arith.index_cast %scan3A_406 : i32 to index
        %get3A_425 = arith.constant 48 : index
        %get3A_426 = tpu.vector_load %arg16[%get3A_424, %get3A_425] {strides = array<i32>} : memref<16x256xf32, #tpu.memory_space<vmem>>, vector<16xf32>,
        %swap3A_427 = arith.index_cast %scan3A_406 : i32 to index
        %swap3A_428 = arith.constant 48 : index
        %swap3A_429 = tpu.vector_load %arg18[%swap3A_427, %swap3A_428] {strides = array<i32>} : memref<16x128xf32, #tpu.memory_space<vmem>>, vector<16xf32>,
        tpu.vector_store %arg18[%swap3A_427, %swap3A_428], %get3A_426 {strides = array<i32>} : memref<16x128xf32, #tpu.memory_space<vmem>>, vector<16xf32>,
        %get3A_430 = arith.index_cast %scan3A_406 : i32 to index
        %get3A_431 = arith.constant 64 : index
        %get3A_432 = tpu.vector_load %arg16[%get3A_430, %get3A_431] {strides = array<i32>} : memref<16x256xf32, #tpu.memory_space<vmem>>, vector<16xf32>,
        %swap3A_433 = arith.index_cast %scan3A_406 : i32 to index
        %swap3A_434 = arith.constant 64 : index
        %swap3A_435 = tpu.vector_load %arg18[%swap3A_433, %swap3A_434] {strides = array<i32>} : memref<16x128xf32, #tpu.memory_space<vmem>>, vector<16xf32>,
        tpu.vector_store %arg18[%swap3A_433, %swap3A_434], %get3A_432 {strides = array<i32>} : memref<16x128xf32, #tpu.memory_space<vmem>>, vector<16xf32>,
        %get3A_436 = arith.index_cast %scan3A_406 : i32 to index
        %get3A_437 = arith.constant 80 : index
        %get3A_438 = tpu.vector_load %arg16[%get3A_436, %get3A_437] {strides = array<i32>} : memref<16x256xf32, #tpu.memory_space<vmem>>, vector<16xf32>,
        %swap3A_439 = arith.index_cast %scan3A_406 : i32 to index
        %swap3A_440 = arith.constant 80 : index
        %swap3A_441 = tpu.vector_load %arg18[%swap3A_439, %swap3A_440] {strides = array<i32>} : memref<16x128xf32, #tpu.memory_space<vmem>>, vector<16xf32>,
        tpu.vector_store %arg18[%swap3A_439, %swap3A_440], %get3A_438 {strides = array<i32>} : memref<16x128xf32, #tpu.memory_space<vmem>>, vector<16xf32>,
        %get3A_442 = arith.index_cast %scan3A_406 : i32 to index
        %get3A_443 = arith.constant 96 : index
        %get3A_444 = tpu.vector_load %arg16[%get3A_442, %get3A_443] {strides = array<i32>} : memref<16x256xf32, #tpu.memory_space<vmem>>, vector<16xf32>,
        %swap3A_445 = arith.index_cast %scan3A_406 : i32 to index
        %swap3A_446 = arith.constant 96 : index
        %swap3A_447 = tpu.vector_load %arg18[%swap3A_445, %swap3A_446] {strides = array<i32>} : memref<16x128xf32, #tpu.memory_space<vmem>>, vector<16xf32>,
        tpu.vector_store %arg18[%swap3A_445, %swap3A_446], %get3A_444 {strides = array<i32>} : memref<16x128xf32, #tpu.memory_space<vmem>>, vector<16xf32>,
        %get3A_448 = arith.index_cast %scan3A_406 : i32 to index
        %get3A_449 = arith.constant 112 : index
        %get3A_450 = tpu.vector_load %arg16[%get3A_448, %get3A_449] {strides = array<i32>} : memref<16x256xf32, #tpu.memory_space<vmem>>, vector<16xf32>,
        %swap3A_451 = arith.index_cast %scan3A_406 : i32 to index
        %swap3A_452 = arith.constant 112 : index
        %swap3A_453 = tpu.vector_load %arg18[%swap3A_451, %swap3A_452] {strides = array<i32>} : memref<16x128xf32, #tpu.memory_space<vmem>>, vector<16xf32>,
        tpu.vector_store %arg18[%swap3A_451, %swap3A_452], %get3A_450 {strides = array<i32>} : memref<16x128xf32, #tpu.memory_space<vmem>>, vector<16xf32>,
      }
      %scan3A_310 = arith.constant 16 : i32
      %get3A_311 = arith.constant 0 : index
      %get3A_312 = tpu.vector_load %arg15[%get3A_311] {strides = array<i32>} : memref<16xi32, #tpu.memory_space<vmem>>, vector<16xi32>,
      %sub3A_313 = arith.constant 1 : i32
      %sub3A_314 = vector.broadcast %sub3A_313 : i32 to vector<16xi32>
      %sub3A_315 = arith.subi %iota3A, %sub3A_314 : vector<16xi32>
      %max3A_316 = arith.constant 0 : i32
      %max3A_317 = vector.broadcast %max3A_316 : i32 to vector<16xi32>
      %max3A_318 = arith.maxsi %sub3A_315, %max3A_317 : vector<16xi32>
      %broadcast_in_dim3A_319 = vector.shape_cast %max3A_318 : vector<16xi32> to vector<16x1xi32>
      %gather3A_320 = vector.shape_cast %broadcast_in_dim3A_319 : vector<16x1xi32> to vector<16xi32>
      %gather3A_321 = tpu.dynamic_gather %broadcast_in_dim3A_1[%gather3A_320] in [0] : vector<16xf32>, vector<16xi32> -> vector<16xf32>
      %ge3A_322 = arith.constant 1 : i32
      %ge3A_323 = vector.broadcast %ge3A_322 : i32 to vector<16xi32>
      %ge3A_324 = arith.cmpi sge, %iota3A, %ge3A_323 : vector<16xi32>
      %jit3A_325 = arith.constant 0.000000e+00 : f32
      %broadcast_in_dim3A_326 = vector.broadcast %jit3A_325 : f32 to vector<16xf32>
      %select_n3A_327 = arith.select %ge3A_324, %gather3A_321, %broadcast_in_dim3A_326 : vector<16xi1>, vector<16xf32>
      %add3A_328 = arith.addf %broadcast_in_dim3A_1, %select_n3A_327 : vector<16xf32>
      %sub3A_329 = arith.constant 2 : i32
      %sub3A_330 = vector.broadcast %sub3A_329 : i32 to vector<16xi32>
      %sub3A_331 = arith.subi %iota3A, %sub3A_330 : vector<16xi32>
      %max3A_332 = arith.constant 0 : i32
      %max3A_333 = vector.broadcast %max3A_332 : i32 to vector<16xi32>
      %max3A_334 = arith.maxsi %sub3A_331, %max3A_333 : vector<16xi32>
      %broadcast_in_dim3A_335 = vector.shape_cast %max3A_334 : vector<16xi32> to vector<16x1xi32>
      %gather3A_336 = vector.shape_cast %broadcast_in_dim3A_335 : vector<16x1xi32> to vector<16xi32>
      %gather3A_337 = tpu.dynamic_gather %add3A_328[%gather3A_336] in [0] : vector<16xf32>, vector<16xi32> -> vector<16xf32>
      %ge3A_338 = arith.constant 2 : i32
      %ge3A_339 = vector.broadcast %ge3A_338 : i32 to vector<16xi32>
      %ge3A_340 = arith.cmpi sge, %iota3A, %ge3A_339 : vector<16xi32>
      %jit3A_341 = arith.constant 0.000000e+00 : f32
      %broadcast_in_dim3A_342 = vector.broadcast %jit3A_341 : f32 to vector<16xf32>
      %select_n3A_343 = arith.select %ge3A_340, %gather3A_337, %broadcast_in_dim3A_342 : vector<16xi1>, vector<16xf32>
      %add3A_344 = arith.addf %add3A_328, %select_n3A_343 : vector<16xf32>
      %sub3A_345 = arith.constant 4 : i32
      %sub3A_346 = vector.broadcast %sub3A_345 : i32 to vector<16xi32>
      %sub3A_347 = arith.subi %iota3A, %sub3A_346 : vector<16xi32>
      %max3A_348 = arith.constant 0 : i32
      %max3A_349 = vector.broadcast %max3A_348 : i32 to vector<16xi32>
      %max3A_350 = arith.maxsi %sub3A_347, %max3A_349 : vector<16xi32>
      %broadcast_in_dim3A_351 = vector.shape_cast %max3A_350 : vector<16xi32> to vector<16x1xi32>
      %gather3A_352 = vector.shape_cast %broadcast_in_dim3A_351 : vector<16x1xi32> to vector<16xi32>
      %gather3A_353 = tpu.dynamic_gather %add3A_344[%gather3A_352] in [0] : vector<16xf32>, vector<16xi32> -> vector<16xf32>
      %ge3A_354 = arith.constant 4 : i32
      %ge3A_355 = vector.broadcast %ge3A_354 : i32 to vector<16xi32>
      %ge3A_356 = arith.cmpi sge, %iota3A, %ge3A_355 : vector<16xi32>
      %jit3A_357 = arith.constant 0.000000e+00 : f32
      %broadcast_in_dim3A_358 = vector.broadcast %jit3A_357 : f32 to vector<16xf32>
      %select_n3A_359 = arith.select %ge3A_356, %gather3A_353, %broadcast_in_dim3A_358 : vector<16xi1>, vector<16xf32>
      %add3A_360 = arith.addf %add3A_344, %select_n3A_359 : vector<16xf32>
      %sub3A_361 = arith.constant 8 : i32
      %sub3A_362 = vector.broadcast %sub3A_361 : i32 to vector<16xi32>
      %sub3A_363 = arith.subi %iota3A, %sub3A_362 : vector<16xi32>
      %max3A_364 = arith.constant 0 : i32
      %max3A_365 = vector.broadcast %max3A_364 : i32 to vector<16xi32>
      %max3A_366 = arith.maxsi %sub3A_363, %max3A_365 : vector<16xi32>
      %broadcast_in_dim3A_367 = vector.shape_cast %max3A_366 : vector<16xi32> to vector<16x1xi32>
      %gather3A_368 = vector.shape_cast %broadcast_in_dim3A_367 : vector<16x1xi32> to vector<16xi32>
      %gather3A_369 = tpu.dynamic_gather %add3A_360[%gather3A_368] in [0] : vector<16xf32>, vector<16xi32> -> vector<16xf32>
      %ge3A_370 = arith.constant 8 : i32
      %ge3A_371 = vector.broadcast %ge3A_370 : i32 to vector<16xi32>
      %ge3A_372 = arith.cmpi sge, %iota3A, %ge3A_371 : vector<16xi32>
      %jit3A_373 = arith.constant 0.000000e+00 : f32
      %broadcast_in_dim3A_374 = vector.broadcast %jit3A_373 : f32 to vector<16xf32>
      %select_n3A_375 = arith.select %ge3A_372, %gather3A_369, %broadcast_in_dim3A_374 : vector<16xi1>, vector<16xf32>
      %add3A_376 = arith.addf %add3A_360, %select_n3A_375 : vector<16xf32>
      %sub3A_377 = arith.subf %add3A_376, %broadcast_in_dim3A_1 : vector<16xf32>
      %eq3A_378 = arith.constant 0 : i32
      %eq3A_379 = vector.broadcast %eq3A_378 : i32 to vector<16xi32>
      %eq3A_380 = arith.cmpi eq, %iota3A, %eq3A_379 : vector<16xi32>
      %broadcast_in_dim3A_381 = vector.shape_cast %max3A_40 : vector<16xi32> to vector<16x1xi32>
      %gather3A_382 = vector.shape_cast %broadcast_in_dim3A_381 : vector<16x1xi32> to vector<16xi32>
      %gather3A_383 = tpu.dynamic_gather %get3A_312[%gather3A_382] in [0] : vector<16xi32>, vector<16xi32> -> vector<16xi32>
      %ne3A_384 = arith.cmpi ne, %get3A_312, %gather3A_383 : vector<16xi32>
      %or3A_385 = arith.ori %eq3A_380, %ne3A_384 : vector<16xi1>
      %eq3A_386 = arith.constant 15 : i32
      %eq3A_387 = vector.broadcast %eq3A_386 : i32 to vector<16xi32>
      %eq3A_388 = arith.cmpi eq, %iota3A, %eq3A_387 : vector<16xi32>
      %broadcast_in_dim3A_389 = vector.shape_cast %min3A_45 : vector<16xi32> to vector<16x1xi32>
      %gather3A_390 = vector.shape_cast %broadcast_in_dim3A_389 : vector<16x1xi32> to vector<16xi32>
      %gather3A_391 = tpu.dynamic_gather %get3A_312[%gather3A_390] in [0] : vector<16xi32>, vector<16xi32> -> vector<16xi32>
      %ne3A_392 = arith.cmpi ne, %get3A_312, %gather3A_391 : vector<16xi32>
      %or3A_393 = arith.ori %eq3A_388, %ne3A_392 : vector<16xi1>
      tpu.vector_store_idx %arg20[%get3A_312], %add3A_376 masked %or3A_393 {add = true} : memref<10240xf32, #tpu.memory_space<vmem>>[vector<16xi32>], vector<16xf32>, vector<16xi1>
      %neg3A_394 = arith.constant 0.000000e+00 : f32
      %neg3A_395 = vector.broadcast %neg3A_394 : f32 to vector<16xf32>
      %neg3A_396 = arith.subf %neg3A_395, %sub3A_377 : vector<16xf32>
      tpu.vector_store_idx %arg20[%get3A_312], %neg3A_396 masked %or3A_385 {add = true} : memref<10240xf32, #tpu.memory_space<vmem>>[vector<16xi32>], vector<16xf32>, vector<16xi1>
      %dma_start3A_397 = arith.constant 0 : i32
      %dma_start3A_398 = arith.constant 0 : i32
      %dma_start3A_399 = tpu.memref_slice %arg21[%dma_start3A_397, %dma_start3A_398] : memref<10240x128xf32, #tpu.memory_space<vmem_shared>> -> memref<10240x128xf32, #tpu.memory_space<vmem_shared>>
      tpu.enqueue_indirect_dma source(%arg18 : memref<16x128xf32, #tpu.memory_space<vmem>>) target(%dma_start3A_399 : memref<10240x128xf32, #tpu.memory_space<vmem_shared>>) offsets(%get3A_312 : vector<16xi32>) semaphore(%arg26 : memref<!tpu.dma_semaphore, #tpu.memory_space<semaphore_mem>>) {add = true}
      %dma_wait3A_400 = arith.constant 0 : i32
      %dma_wait3A_401 = arith.constant 0 : i32
      %dma_wait3A_402 = tpu.memref_slice %arg21[%dma_wait3A_400, %dma_wait3A_401] : memref<10240x128xf32, #tpu.memory_space<vmem_shared>> -> memref<10240x128xf32, #tpu.memory_space<vmem_shared>>
      tpu.wait_indirect_dma semaphore(%arg26 : memref<!tpu.dma_semaphore, #tpu.memory_space<semaphore_mem>>) src(%arg13 : memref<16x128xf32, #tpu.memory_space<vmem>>) dst(%dma_wait3A_402 : memref<10240x128xf32, #tpu.memory_space<vmem_shared>>)
      %dma_wait3A_403 = arith.constant 0 : i32
      %dma_wait3A_404 = arith.constant 0 : i32
      %dma_wait3A_405 = tpu.memref_slice %arg21[%dma_wait3A_403, %dma_wait3A_404] : memref<10240x128xf32, #tpu.memory_space<vmem_shared>> -> memref<10240x128xf32, #tpu.memory_space<vmem_shared>>
      tpu.wait_indirect_dma semaphore(%arg26 : memref<!tpu.dma_semaphore, #tpu.memory_space<semaphore_mem>>) src(%arg18 : memref<16x128xf32, #tpu.memory_space<vmem>>) dst(%dma_wait3A_405 : memref<10240x128xf32, #tpu.memory_space<vmem_shared>>)
    }
    %scan3A_51 = arith.constant 312 : i32
    %mul3A_52 = arith.constant 10000 : i32
    %mul3A_53 = arith.muli %add3A, %mul3A_52 : i32
    %add3A_54 = arith.constant 9984 : i32
    %add3A_55 = arith.addi %mul3A_53, %add3A_54 : i32
    "tpu.region"() ({
      %run_scoped3A = tpu.sem_alloc : memref<!tpu.dma_semaphore, #tpu.memory_space<semaphore_mem>>
      %dma_start3A_160 = tpu.memref_slice %arg5[%add3A_55] : memref<320000xi32, #tpu.memory_space<hbm>> -> memref<16xi32, #tpu.memory_space<hbm>>
      %dma_start3A_161 = tpu.memref_slice %arg5[%add3A_55] : memref<320000xi32, #tpu.memory_space<hbm>> -> memref<16xi32, #tpu.memory_space<hbm>>
      tpu.enqueue_dma source(%dma_start3A_161 : memref<16xi32, #tpu.memory_space<hbm>>) target(%arg9 : memref<16xi32, #tpu.memory_space<vmem>>) target_semaphore(%run_scoped3A : memref<!tpu.dma_semaphore, #tpu.memory_space<semaphore_mem>>)
      %dma_wait3A_162 = tpu.memref_slice %arg5[%add3A_55] : memref<320000xi32, #tpu.memory_space<hbm>> -> memref<16xi32, #tpu.memory_space<hbm>>
      %dma_wait3A_163 = tpu.memref_slice %arg5[%add3A_55] : memref<320000xi32, #tpu.memory_space<hbm>> -> memref<16xi32, #tpu.memory_space<hbm>>
      tpu.wait_dma2 semaphore(%run_scoped3A : memref<!tpu.dma_semaphore, #tpu.memory_space<semaphore_mem>>) src(%dma_wait3A_163 : memref<16xi32, #tpu.memory_space<hbm>>) dst(%arg9 : memref<16xi32, #tpu.memory_space<vmem>>)
      tpu.yield
    }) : () -> ()
    "tpu.region"() ({
      %run_scoped3A = tpu.sem_alloc : memref<!tpu.dma_semaphore, #tpu.memory_space<semaphore_mem>>
      %dma_start3A_160 = tpu.memref_slice %arg6[%add3A_55] : memref<320000xi32, #tpu.memory_space<hbm>> -> memref<16xi32, #tpu.memory_space<hbm>>
      %dma_start3A_161 = tpu.memref_slice %arg6[%add3A_55] : memref<320000xi32, #tpu.memory_space<hbm>> -> memref<16xi32, #tpu.memory_space<hbm>>
      tpu.enqueue_dma source(%dma_start3A_161 : memref<16xi32, #tpu.memory_space<hbm>>) target(%arg10 : memref<16xi32, #tpu.memory_space<vmem>>) target_semaphore(%run_scoped3A : memref<!tpu.dma_semaphore, #tpu.memory_space<semaphore_mem>>)
      %dma_wait3A_162 = tpu.memref_slice %arg6[%add3A_55] : memref<320000xi32, #tpu.memory_space<hbm>> -> memref<16xi32, #tpu.memory_space<hbm>>
      %dma_wait3A_163 = tpu.memref_slice %arg6[%add3A_55] : memref<320000xi32, #tpu.memory_space<hbm>> -> memref<16xi32, #tpu.memory_space<hbm>>
      tpu.wait_dma2 semaphore(%run_scoped3A : memref<!tpu.dma_semaphore, #tpu.memory_space<semaphore_mem>>) src(%dma_wait3A_163 : memref<16xi32, #tpu.memory_space<hbm>>) dst(%arg10 : memref<16xi32, #tpu.memory_space<vmem>>)
      tpu.yield
    }) : () -> ()
    %dma_start3A = arith.constant 0 : i32
    %dma_start3A_56 = arith.constant 0 : i32
    %dma_start3A_57 = tpu.memref_slice %arg2[%dma_start3A, %dma_start3A_56] : memref<15000x256xf32, #tpu.memory_space<hbm>> -> memref<15000x256xf32, #tpu.memory_space<hbm>>
    tpu.enqueue_indirect_dma source(%dma_start3A_57 : memref<15000x256xf32, #tpu.memory_space<hbm>>) target(%arg11 : memref<16x256xf32, #tpu.memory_space<vmem>>) offsets(%arg9 : memref<16xi32, #tpu.memory_space<vmem>>) semaphore(%arg24 : memref<!tpu.dma_semaphore, #tpu.memory_space<semaphore_mem>>)
    %dma_start3A_58 = arith.constant 0 : i32
    %dma_start3A_59 = arith.constant 0 : i32
    %dma_start3A_60 = tpu.memref_slice %arg3[%dma_start3A_58, %dma_start3A_59] : memref<10000x128xf32, #tpu.memory_space<hbm>> -> memref<10000x128xf32, #tpu.memory_space<hbm>>
    tpu.enqueue_indirect_dma source(%dma_start3A_60 : memref<10000x128xf32, #tpu.memory_space<hbm>>) target(%arg12 : memref<16x128xf32, #tpu.memory_space<vmem>>) offsets(%arg10 : memref<16xi32, #tpu.memory_space<vmem>>) semaphore(%arg24 : memref<!tpu.dma_semaphore, #tpu.memory_space<semaphore_mem>>)
    %dma_wait3A = arith.constant 0 : i32
    %dma_wait3A_61 = arith.constant 0 : i32
    %dma_wait3A_62 = tpu.memref_slice %arg2[%dma_wait3A, %dma_wait3A_61] : memref<15000x256xf32, #tpu.memory_space<hbm>> -> memref<15000x256xf32, #tpu.memory_space<hbm>>
    tpu.wait_indirect_dma semaphore(%arg24 : memref<!tpu.dma_semaphore, #tpu.memory_space<semaphore_mem>>) src(%dma_wait3A_62 : memref<15000x256xf32, #tpu.memory_space<hbm>>) dst(%arg11 : memref<16x256xf32, #tpu.memory_space<vmem>>)
    %dma_wait3A_63 = arith.constant 0 : i32
    %dma_wait3A_64 = arith.constant 0 : i32
    %dma_wait3A_65 = tpu.memref_slice %arg3[%dma_wait3A_63, %dma_wait3A_64] : memref<10000x128xf32, #tpu.memory_space<hbm>> -> memref<10000x128xf32, #tpu.memory_space<hbm>>
    tpu.wait_indirect_dma semaphore(%arg24 : memref<!tpu.dma_semaphore, #tpu.memory_space<semaphore_mem>>) src(%dma_wait3A_65 : memref<10000x128xf32, #tpu.memory_space<hbm>>) dst(%arg12 : memref<16x128xf32, #tpu.memory_space<vmem>>)
    %scan3A_66 = arith.constant 0 : i32
    %scan3A_67 = arith.constant 16 : i32
    %scan3A_68 = arith.addi %scan3A_66, %scan3A_67 : i32
    %scan3A_69 = arith.constant 1 : i32
    scf.for %scan3A_160 = %scan3A_66 to %scan3A_68 step %scan3A_69  : i32 {
      %get3A_161 = arith.index_cast %scan3A_160 : i32 to index
      %get3A_162 = arith.constant 0 : index
      %get3A_163 = tpu.vector_load %arg11[%get3A_161, %get3A_162] {strides = array<i32>} : memref<16x256xf32, #tpu.memory_space<vmem>>, vector<16xf32>,
      %swap3A = arith.index_cast %scan3A_160 : i32 to index
      %swap3A_164 = arith.constant 0 : index
      %swap3A_165 = tpu.vector_load %arg13[%swap3A, %swap3A_164] {strides = array<i32>} : memref<16x128xf32, #tpu.memory_space<vmem>>, vector<16xf32>,
      tpu.vector_store %arg13[%swap3A, %swap3A_164], %get3A_163 {strides = array<i32>} : memref<16x128xf32, #tpu.memory_space<vmem>>, vector<16xf32>,
      %get3A_166 = arith.index_cast %scan3A_160 : i32 to index
      %get3A_167 = arith.constant 16 : index
      %get3A_168 = tpu.vector_load %arg11[%get3A_166, %get3A_167] {strides = array<i32>} : memref<16x256xf32, #tpu.memory_space<vmem>>, vector<16xf32>,
      %swap3A_169 = arith.index_cast %scan3A_160 : i32 to index
      %swap3A_170 = arith.constant 16 : index
      %swap3A_171 = tpu.vector_load %arg13[%swap3A_169, %swap3A_170] {strides = array<i32>} : memref<16x128xf32, #tpu.memory_space<vmem>>, vector<16xf32>,
      tpu.vector_store %arg13[%swap3A_169, %swap3A_170], %get3A_168 {strides = array<i32>} : memref<16x128xf32, #tpu.memory_space<vmem>>, vector<16xf32>,
      %get3A_172 = arith.index_cast %scan3A_160 : i32 to index
      %get3A_173 = arith.constant 32 : index
      %get3A_174 = tpu.vector_load %arg11[%get3A_172, %get3A_173] {strides = array<i32>} : memref<16x256xf32, #tpu.memory_space<vmem>>, vector<16xf32>,
      %swap3A_175 = arith.index_cast %scan3A_160 : i32 to index
      %swap3A_176 = arith.constant 32 : index
      %swap3A_177 = tpu.vector_load %arg13[%swap3A_175, %swap3A_176] {strides = array<i32>} : memref<16x128xf32, #tpu.memory_space<vmem>>, vector<16xf32>,
      tpu.vector_store %arg13[%swap3A_175, %swap3A_176], %get3A_174 {strides = array<i32>} : memref<16x128xf32, #tpu.memory_space<vmem>>, vector<16xf32>,
      %get3A_178 = arith.index_cast %scan3A_160 : i32 to index
      %get3A_179 = arith.constant 48 : index
      %get3A_180 = tpu.vector_load %arg11[%get3A_178, %get3A_179] {strides = array<i32>} : memref<16x256xf32, #tpu.memory_space<vmem>>, vector<16xf32>,
      %swap3A_181 = arith.index_cast %scan3A_160 : i32 to index
      %swap3A_182 = arith.constant 48 : index
      %swap3A_183 = tpu.vector_load %arg13[%swap3A_181, %swap3A_182] {strides = array<i32>} : memref<16x128xf32, #tpu.memory_space<vmem>>, vector<16xf32>,
      tpu.vector_store %arg13[%swap3A_181, %swap3A_182], %get3A_180 {strides = array<i32>} : memref<16x128xf32, #tpu.memory_space<vmem>>, vector<16xf32>,
      %get3A_184 = arith.index_cast %scan3A_160 : i32 to index
      %get3A_185 = arith.constant 64 : index
      %get3A_186 = tpu.vector_load %arg11[%get3A_184, %get3A_185] {strides = array<i32>} : memref<16x256xf32, #tpu.memory_space<vmem>>, vector<16xf32>,
      %swap3A_187 = arith.index_cast %scan3A_160 : i32 to index
      %swap3A_188 = arith.constant 64 : index
      %swap3A_189 = tpu.vector_load %arg13[%swap3A_187, %swap3A_188] {strides = array<i32>} : memref<16x128xf32, #tpu.memory_space<vmem>>, vector<16xf32>,
      tpu.vector_store %arg13[%swap3A_187, %swap3A_188], %get3A_186 {strides = array<i32>} : memref<16x128xf32, #tpu.memory_space<vmem>>, vector<16xf32>,
      %get3A_190 = arith.index_cast %scan3A_160 : i32 to index
      %get3A_191 = arith.constant 80 : index
      %get3A_192 = tpu.vector_load %arg11[%get3A_190, %get3A_191] {strides = array<i32>} : memref<16x256xf32, #tpu.memory_space<vmem>>, vector<16xf32>,
      %swap3A_193 = arith.index_cast %scan3A_160 : i32 to index
      %swap3A_194 = arith.constant 80 : index
      %swap3A_195 = tpu.vector_load %arg13[%swap3A_193, %swap3A_194] {strides = array<i32>} : memref<16x128xf32, #tpu.memory_space<vmem>>, vector<16xf32>,
      tpu.vector_store %arg13[%swap3A_193, %swap3A_194], %get3A_192 {strides = array<i32>} : memref<16x128xf32, #tpu.memory_space<vmem>>, vector<16xf32>,
      %get3A_196 = arith.index_cast %scan3A_160 : i32 to index
      %get3A_197 = arith.constant 96 : index
      %get3A_198 = tpu.vector_load %arg11[%get3A_196, %get3A_197] {strides = array<i32>} : memref<16x256xf32, #tpu.memory_space<vmem>>, vector<16xf32>,
      %swap3A_199 = arith.index_cast %scan3A_160 : i32 to index
      %swap3A_200 = arith.constant 96 : index
      %swap3A_201 = tpu.vector_load %arg13[%swap3A_199, %swap3A_200] {strides = array<i32>} : memref<16x128xf32, #tpu.memory_space<vmem>>, vector<16xf32>,
      tpu.vector_store %arg13[%swap3A_199, %swap3A_200], %get3A_198 {strides = array<i32>} : memref<16x128xf32, #tpu.memory_space<vmem>>, vector<16xf32>,
      %get3A_202 = arith.index_cast %scan3A_160 : i32 to index
      %get3A_203 = arith.constant 112 : index
      %get3A_204 = tpu.vector_load %arg11[%get3A_202, %get3A_203] {strides = array<i32>} : memref<16x256xf32, #tpu.memory_space<vmem>>, vector<16xf32>,
      %swap3A_205 = arith.index_cast %scan3A_160 : i32 to index
      %swap3A_206 = arith.constant 112 : index
      %swap3A_207 = tpu.vector_load %arg13[%swap3A_205, %swap3A_206] {strides = array<i32>} : memref<16x128xf32, #tpu.memory_space<vmem>>, vector<16xf32>,
      tpu.vector_store %arg13[%swap3A_205, %swap3A_206], %get3A_204 {strides = array<i32>} : memref<16x128xf32, #tpu.memory_space<vmem>>, vector<16xf32>,
    }
    %scan3A_70 = arith.constant 16 : i32
    %get3A_71 = arith.constant 0 : index
    %get3A_72 = tpu.vector_load %arg10[%get3A_71] {strides = array<i32>} : memref<16xi32, #tpu.memory_space<vmem>>, vector<16xi32>,
    %sub3A_73 = arith.constant 1 : i32
    %sub3A_74 = vector.broadcast %sub3A_73 : i32 to vector<16xi32>
    %sub3A_75 = arith.subi %iota3A, %sub3A_74 : vector<16xi32>
    %max3A_76 = arith.constant 0 : i32
    %max3A_77 = vector.broadcast %max3A_76 : i32 to vector<16xi32>
    %max3A_78 = arith.maxsi %sub3A_75, %max3A_77 : vector<16xi32>
    %broadcast_in_dim3A_79 = vector.shape_cast %max3A_78 : vector<16xi32> to vector<16x1xi32>
    %gather3A = vector.shape_cast %broadcast_in_dim3A_79 : vector<16x1xi32> to vector<16xi32>
    %gather3A_80 = tpu.dynamic_gather %broadcast_in_dim3A_1[%gather3A] in [0] : vector<16xf32>, vector<16xi32> -> vector<16xf32>
    %ge3A = arith.constant 1 : i32
    %ge3A_81 = vector.broadcast %ge3A : i32 to vector<16xi32>
    %ge3A_82 = arith.cmpi sge, %iota3A, %ge3A_81 : vector<16xi32>
    %jit3A = arith.constant 0.000000e+00 : f32
    %broadcast_in_dim3A_83 = vector.broadcast %jit3A : f32 to vector<16xf32>
    %select_n3A = arith.select %ge3A_82, %gather3A_80, %broadcast_in_dim3A_83 : vector<16xi1>, vector<16xf32>
    %add3A_84 = arith.addf %broadcast_in_dim3A_1, %select_n3A : vector<16xf32>
    %sub3A_85 = arith.constant 2 : i32
    %sub3A_86 = vector.broadcast %sub3A_85 : i32 to vector<16xi32>
    %sub3A_87 = arith.subi %iota3A, %sub3A_86 : vector<16xi32>
    %max3A_88 = arith.constant 0 : i32
    %max3A_89 = vector.broadcast %max3A_88 : i32 to vector<16xi32>
    %max3A_90 = arith.maxsi %sub3A_87, %max3A_89 : vector<16xi32>
    %broadcast_in_dim3A_91 = vector.shape_cast %max3A_90 : vector<16xi32> to vector<16x1xi32>
    %gather3A_92 = vector.shape_cast %broadcast_in_dim3A_91 : vector<16x1xi32> to vector<16xi32>
    %gather3A_93 = tpu.dynamic_gather %add3A_84[%gather3A_92] in [0] : vector<16xf32>, vector<16xi32> -> vector<16xf32>
    %ge3A_94 = arith.constant 2 : i32
    %ge3A_95 = vector.broadcast %ge3A_94 : i32 to vector<16xi32>
    %ge3A_96 = arith.cmpi sge, %iota3A, %ge3A_95 : vector<16xi32>
    %jit3A_97 = arith.constant 0.000000e+00 : f32
    %broadcast_in_dim3A_98 = vector.broadcast %jit3A_97 : f32 to vector<16xf32>
    %select_n3A_99 = arith.select %ge3A_96, %gather3A_93, %broadcast_in_dim3A_98 : vector<16xi1>, vector<16xf32>
    %add3A_100 = arith.addf %add3A_84, %select_n3A_99 : vector<16xf32>
    %sub3A_101 = arith.constant 4 : i32
    %sub3A_102 = vector.broadcast %sub3A_101 : i32 to vector<16xi32>
    %sub3A_103 = arith.subi %iota3A, %sub3A_102 : vector<16xi32>
    %max3A_104 = arith.constant 0 : i32
    %max3A_105 = vector.broadcast %max3A_104 : i32 to vector<16xi32>
    %max3A_106 = arith.maxsi %sub3A_103, %max3A_105 : vector<16xi32>
    %broadcast_in_dim3A_107 = vector.shape_cast %max3A_106 : vector<16xi32> to vector<16x1xi32>
    %gather3A_108 = vector.shape_cast %broadcast_in_dim3A_107 : vector<16x1xi32> to vector<16xi32>
    %gather3A_109 = tpu.dynamic_gather %add3A_100[%gather3A_108] in [0] : vector<16xf32>, vector<16xi32> -> vector<16xf32>
    %ge3A_110 = arith.constant 4 : i32
    %ge3A_111 = vector.broadcast %ge3A_110 : i32 to vector<16xi32>
    %ge3A_112 = arith.cmpi sge, %iota3A, %ge3A_111 : vector<16xi32>
    %jit3A_113 = arith.constant 0.000000e+00 : f32
    %broadcast_in_dim3A_114 = vector.broadcast %jit3A_113 : f32 to vector<16xf32>
    %select_n3A_115 = arith.select %ge3A_112, %gather3A_109, %broadcast_in_dim3A_114 : vector<16xi1>, vector<16xf32>
    %add3A_116 = arith.addf %add3A_100, %select_n3A_115 : vector<16xf32>
    %sub3A_117 = arith.constant 8 : i32
    %sub3A_118 = vector.broadcast %sub3A_117 : i32 to vector<16xi32>
    %sub3A_119 = arith.subi %iota3A, %sub3A_118 : vector<16xi32>
    %max3A_120 = arith.constant 0 : i32
    %max3A_121 = vector.broadcast %max3A_120 : i32 to vector<16xi32>
    %max3A_122 = arith.maxsi %sub3A_119, %max3A_121 : vector<16xi32>
    %broadcast_in_dim3A_123 = vector.shape_cast %max3A_122 : vector<16xi32> to vector<16x1xi32>
    %gather3A_124 = vector.shape_cast %broadcast_in_dim3A_123 : vector<16x1xi32> to vector<16xi32>
    %gather3A_125 = tpu.dynamic_gather %add3A_116[%gather3A_124] in [0] : vector<16xf32>, vector<16xi32> -> vector<16xf32>
    %ge3A_126 = arith.constant 8 : i32
    %ge3A_127 = vector.broadcast %ge3A_126 : i32 to vector<16xi32>
    %ge3A_128 = arith.cmpi sge, %iota3A, %ge3A_127 : vector<16xi32>
    %jit3A_129 = arith.constant 0.000000e+00 : f32
    %broadcast_in_dim3A_130 = vector.broadcast %jit3A_129 : f32 to vector<16xf32>
    %select_n3A_131 = arith.select %ge3A_128, %gather3A_125, %broadcast_in_dim3A_130 : vector<16xi1>, vector<16xf32>
    %add3A_132 = arith.addf %add3A_116, %select_n3A_131 : vector<16xf32>
    %sub3A_133 = arith.subf %add3A_132, %broadcast_in_dim3A_1 : vector<16xf32>
    %eq3A = arith.constant 0 : i32
    %eq3A_134 = vector.broadcast %eq3A : i32 to vector<16xi32>
    %eq3A_135 = arith.cmpi eq, %iota3A, %eq3A_134 : vector<16xi32>
    %broadcast_in_dim3A_136 = vector.shape_cast %max3A_40 : vector<16xi32> to vector<16x1xi32>
    %gather3A_137 = vector.shape_cast %broadcast_in_dim3A_136 : vector<16x1xi32> to vector<16xi32>
    %gather3A_138 = tpu.dynamic_gather %get3A_72[%gather3A_137] in [0] : vector<16xi32>, vector<16xi32> -> vector<16xi32>
    %ne3A = arith.cmpi ne, %get3A_72, %gather3A_138 : vector<16xi32>
    %or3A = arith.ori %eq3A_135, %ne3A : vector<16xi1>
    %eq3A_139 = arith.constant 15 : i32
    %eq3A_140 = vector.broadcast %eq3A_139 : i32 to vector<16xi32>
    %eq3A_141 = arith.cmpi eq, %iota3A, %eq3A_140 : vector<16xi32>
    %broadcast_in_dim3A_142 = vector.shape_cast %min3A_45 : vector<16xi32> to vector<16x1xi32>
    %gather3A_143 = vector.shape_cast %broadcast_in_dim3A_142 : vector<16x1xi32> to vector<16xi32>
    %gather3A_144 = tpu.dynamic_gather %get3A_72[%gather3A_143] in [0] : vector<16xi32>, vector<16xi32> -> vector<16xi32>
    %ne3A_145 = arith.cmpi ne, %get3A_72, %gather3A_144 : vector<16xi32>
    %or3A_146 = arith.ori %eq3A_141, %ne3A_145 : vector<16xi1>
    tpu.vector_store_idx %arg20[%get3A_72], %add3A_132 masked %or3A_146 {add = true} : memref<10240xf32, #tpu.memory_space<vmem>>[vector<16xi32>], vector<16xf32>, vector<16xi1>
    %neg3A = arith.constant 0.000000e+00 : f32
    %neg3A_147 = vector.broadcast %neg3A : f32 to vector<16xf32>
    %neg3A_148 = arith.subf %neg3A_147, %sub3A_133 : vector<16xf32>
    tpu.vector_store_idx %arg20[%get3A_72], %neg3A_148 masked %or3A {add = true} : memref<10240xf32, #tpu.memory_space<vmem>>[vector<16xi32>], vector<16xf32>, vector<16xi1>
    %dma_start3A_149 = arith.constant 0 : i32
    %dma_start3A_150 = arith.constant 0 : i32
    %dma_start3A_151 = tpu.memref_slice %arg21[%dma_start3A_149, %dma_start3A_150] : memref<10240x128xf32, #tpu.memory_space<vmem_shared>> -> memref<10240x128xf32, #tpu.memory_space<vmem_shared>>
    tpu.enqueue_indirect_dma source(%arg13 : memref<16x128xf32, #tpu.memory_space<vmem>>) target(%dma_start3A_151 : memref<10240x128xf32, #tpu.memory_space<vmem_shared>>) offsets(%get3A_72 : vector<16xi32>) semaphore(%arg26 : memref<!tpu.dma_semaphore, #tpu.memory_space<semaphore_mem>>) {add = true}
    %dma_wait3A_152 = arith.constant 0 : i32
    %dma_wait3A_153 = arith.constant 0 : i32
    %dma_wait3A_154 = tpu.memref_slice %arg21[%dma_wait3A_152, %dma_wait3A_153] : memref<10240x128xf32, #tpu.memory_space<vmem_shared>> -> memref<10240x128xf32, #tpu.memory_space<vmem_shared>>
    tpu.wait_indirect_dma semaphore(%arg26 : memref<!tpu.dma_semaphore, #tpu.memory_space<semaphore_mem>>) src(%arg13 : memref<16x128xf32, #tpu.memory_space<vmem>>) dst(%dma_wait3A_154 : memref<10240x128xf32, #tpu.memory_space<vmem_shared>>)
    %barrier3A_155 = arith.constant 0 : index
    tpu.barrier barrier_id(%barrier3A_155)
    %mul3A_156 = arith.constant 640 : i32
    %mul3A_157 = arith.muli %arg1, %mul3A_156 : i32
    %mul3A_158 = arith.constant 640 : i32
    %mul3A_159 = arith.muli %arg1, %mul3A_158 : i32
    "tpu.region"() ({
      %run_scoped3A = tpu.sem_alloc : memref<!tpu.dma_semaphore, #tpu.memory_space<semaphore_mem>>
      %dma_start3A_160 = arith.constant 0 : i32
      %dma_start3A_161 = tpu.memref_slice %arg7[%arg0, %mul3A_159, %dma_start3A_160] : memref<2x10240x128xf32, #tpu.memory_space<hbm>> -> memref<1x640x128xf32, #tpu.memory_space<hbm>>
      %dma_start3A_162 = tpu.memref_squeeze %dma_start3A_161 : memref<1x640x128xf32, #tpu.memory_space<hbm>> -> memref<640x128xf32, #tpu.memory_space<hbm>>
      %dma_start3A_163 = arith.constant 0 : i32
      %dma_start3A_164 = tpu.memref_slice %arg21[%mul3A_157, %dma_start3A_163] : memref<10240x128xf32, #tpu.memory_space<vmem_shared>> -> memref<640x128xf32, #tpu.memory_space<vmem_shared>>
      tpu.enqueue_dma source(%dma_start3A_164 : memref<640x128xf32, #tpu.memory_space<vmem_shared>>) target(%dma_start3A_162 : memref<640x128xf32, #tpu.memory_space<hbm>>) target_semaphore(%run_scoped3A : memref<!tpu.dma_semaphore, #tpu.memory_space<semaphore_mem>>)
      %dma_wait3A_165 = arith.constant 0 : i32
      %dma_wait3A_166 = tpu.memref_slice %arg7[%arg0, %mul3A_159, %dma_wait3A_165] : memref<2x10240x128xf32, #tpu.memory_space<hbm>> -> memref<1x640x128xf32, #tpu.memory_space<hbm>>
      %dma_wait3A_167 = tpu.memref_squeeze %dma_wait3A_166 : memref<1x640x128xf32, #tpu.memory_space<hbm>> -> memref<640x128xf32, #tpu.memory_space<hbm>>
      %dma_wait3A_168 = arith.constant 0 : i32
      %dma_wait3A_169 = tpu.memref_slice %arg21[%mul3A_157, %dma_wait3A_168] : memref<10240x128xf32, #tpu.memory_space<vmem_shared>> -> memref<640x128xf32, #tpu.memory_space<vmem_shared>>
      tpu.wait_dma2 semaphore(%run_scoped3A : memref<!tpu.dma_semaphore, #tpu.memory_space<semaphore_mem>>) src(%dma_wait3A_169 : memref<640x128xf32, #tpu.memory_space<vmem_shared>>) dst(%dma_wait3A_167 : memref<640x128xf32, #tpu.memory_space<hbm>>)
      tpu.yield
    }) : () -> ()
    "tpu.region"() ({
      %run_scoped3A = tpu.sem_alloc : memref<!tpu.dma_semaphore, #tpu.memory_space<semaphore_mem>>
      %dma_start3A_160 = arith.constant 0 : i32
      %dma_start3A_161 = tpu.memref_slice %arg8[%add3A, %dma_start3A_160] : memref<32x10240xf32, #tpu.memory_space<hbm>> -> memref<1x10240xf32, #tpu.memory_space<hbm>>
      %dma_start3A_162 = tpu.memref_squeeze %dma_start3A_161 : memref<1x10240xf32, #tpu.memory_space<hbm>> -> memref<10240xf32, #tpu.memory_space<hbm>>
      %dma_start3A_163 = arith.constant 0 : i32
      %dma_start3A_164 = tpu.memref_slice %arg8[%add3A, %dma_start3A_163] : memref<32x10240xf32, #tpu.memory_space<hbm>> -> memref<1x10240xf32, #tpu.memory_space<hbm>>
      %dma_start3A_165 = tpu.memref_squeeze %dma_start3A_164 : memref<1x10240xf32, #tpu.memory_space<hbm>> -> memref<10240xf32, #tpu.memory_space<hbm>>
      tpu.enqueue_dma source(%arg20 : memref<10240xf32, #tpu.memory_space<vmem>>) target(%dma_start3A_165 : memref<10240xf32, #tpu.memory_space<hbm>>) target_semaphore(%run_scoped3A : memref<!tpu.dma_semaphore, #tpu.memory_space<semaphore_mem>>)
      %dma_wait3A_166 = arith.constant 0 : i32
      %dma_wait3A_167 = tpu.memref_slice %arg8[%add3A, %dma_wait3A_166] : memref<32x10240xf32, #tpu.memory_space<hbm>> -> memref<1x10240xf32, #tpu.memory_space<hbm>>
      %dma_wait3A_168 = tpu.memref_squeeze %dma_wait3A_167 : memref<1x10240xf32, #tpu.memory_space<hbm>> -> memref<10240xf32, #tpu.memory_space<hbm>>
      %dma_wait3A_169 = arith.constant 0 : i32
      %dma_wait3A_170 = tpu.memref_slice %arg8[%add3A, %dma_wait3A_169] : memref<32x10240xf32, #tpu.memory_space<hbm>> -> memref<1x10240xf32, #tpu.memory_space<hbm>>
      %dma_wait3A_171 = tpu.memref_squeeze %dma_wait3A_170 : memref<1x10240xf32, #tpu.memory_space<hbm>> -> memref<10240xf32, #tpu.memory_space<hbm>>
      tpu.wait_dma2 semaphore(%run_scoped3A : memref<!tpu.dma_semaphore, #tpu.memory_space<semaphore_mem>>) src(%arg20 : memref<10240xf32, #tpu.memory_space<vmem>>) dst(%dma_wait3A_171 : memref<10240xf32, #tpu.memory_space<hbm>>)
      tpu.yield
    }) : () -> ()
    return
  }
}

module attributes {stable_mosaic.version = 14 : i64} {
  func.func @_pre_body(%arg0: i32, %arg1: memref<1000x128xf32, #tpu.memory_space<vmem>>, %arg2: memref<1000x128xf32, #tpu.memory_space<vmem>>, %arg3: memref<128x64xf32, #tpu.memory_space<vmem>>, %arg4: memref<128x64xf32, #tpu.memory_space<vmem>>, %arg5: memref<1x64xf32, #tpu.memory_space<vmem>>, %arg6: memref<1000x256xf32, #tpu.memory_space<vmem>>, %arg7: memref<1000x128xf32, #tpu.memory_space<vmem>>) attributes {dimension_semantics = [#tpu.dimension_semantics<arbitrary>], iteration_bounds = array<i64: 15>, scalar_prefetch = 0 : i64, scratch_operands = 0 : i64, tpu.core_type = #tpu.core_type<tc>, window_params = [{transform_indices = @transform_0, window_bounds = array<i64: 1000, 128>}, {transform_indices = @transform_1, window_bounds = array<i64: 1000, 128>}, {pipeline_mode = #tpu.pipeline_mode<synchronous>, transform_indices = @transform_2, window_bounds = array<i64: 128, 64>}, {pipeline_mode = #tpu.pipeline_mode<synchronous>, transform_indices = @transform_3, window_bounds = array<i64: 128, 64>}, {pipeline_mode = #tpu.pipeline_mode<synchronous>, transform_indices = @transform_4, window_bounds = array<i64: 1, 64>}, {transform_indices = @transform_5, window_bounds = array<i64: 1000, 256>}, {transform_indices = @transform_6, window_bounds = array<i64: 1000, 128>}]} {
    %lt3A = arith.constant 10 : i32
    %lt3A_0 = arith.cmpi slt, %arg0, %lt3A : i32
    %convert_element_type3A = arith.extui %lt3A_0 : i1 to i32
    %cond3A = arith.constant 0 : i32
    %cond3A_1 = arith.cmpi ne, %convert_element_type3A, %cond3A : i32
    scf.if %cond3A_1 {
      %get3A = arith.constant 0 : index
      %get3A_6 = arith.constant 0 : index
      %get3A_7 = vector.load %arg1[%get3A, %get3A_6] : memref<1000x128xf32, #tpu.memory_space<vmem>>, vector<1000x128xf32>
      %swap3A = arith.constant 0 : index
      %swap3A_8 = arith.constant 0 : index
      %swap3A_9 = vector.load %arg6[%swap3A, %swap3A_8] : memref<1000x256xf32, #tpu.memory_space<vmem>>, vector<1000x128xf32>
      tpu.vector_store %arg6[%swap3A, %swap3A_8], %get3A_7 {strides = array<i32>} : memref<1000x256xf32, #tpu.memory_space<vmem>>, vector<1000x128xf32>,
      %get3A_10 = arith.constant 0 : index
      %get3A_11 = arith.constant 0 : index
      %get3A_12 = vector.load %arg4[%get3A_10, %get3A_11] : memref<128x64xf32, #tpu.memory_space<vmem>>, vector<128x64xf32>
      %dot_general3A = arith.constant dense<0.000000e+00> : vector<1000x64xf32>
      %dot_general3A_13 = tpu.matmul %get3A_7, %get3A_12, %dot_general3A {dimension_numbers = #tpu.dot_dimension_numbers<[1], [0], [0], [1], [0, 0, 1, 1], [], []>, transpose_lhs_hint = false} : vector<1000x128xf32>, vector<128x64xf32>, vector<1000x64xf32> -> vector<1000x64xf32>
      %swap3A_14 = arith.constant 0 : index
      %swap3A_15 = arith.constant 128 : index
      %swap3A_16 = vector.load %arg6[%swap3A_14, %swap3A_15] : memref<1000x256xf32, #tpu.memory_space<vmem>>, vector<1000x64xf32>
      tpu.vector_store %arg6[%swap3A_14, %swap3A_15], %dot_general3A_13 {strides = array<i32>} : memref<1000x256xf32, #tpu.memory_space<vmem>>, vector<1000x64xf32>,
      %broadcast_in_dim3A = arith.constant 0.000000e+00 : f32
      %broadcast_in_dim3A_17 = vector.broadcast %broadcast_in_dim3A : f32 to vector<1000x64xf32>
      %swap3A_18 = arith.constant 0 : index
      %swap3A_19 = arith.constant 192 : index
      %swap3A_20 = vector.load %arg6[%swap3A_18, %swap3A_19] : memref<1000x256xf32, #tpu.memory_space<vmem>>, vector<1000x64xf32>
      tpu.vector_store %arg6[%swap3A_18, %swap3A_19], %broadcast_in_dim3A_17 {strides = array<i32>} : memref<1000x256xf32, #tpu.memory_space<vmem>>, vector<1000x64xf32>,
      %get3A_21 = arith.constant 0 : index
      %get3A_22 = arith.constant 0 : index
      %get3A_23 = vector.load %arg3[%get3A_21, %get3A_22] : memref<128x64xf32, #tpu.memory_space<vmem>>, vector<128x64xf32>
      %dot_general3A_24 = arith.constant dense<0.000000e+00> : vector<1000x64xf32>
      %dot_general3A_25 = tpu.matmul %get3A_7, %get3A_23, %dot_general3A_24 {dimension_numbers = #tpu.dot_dimension_numbers<[1], [0], [0], [1], [0, 0, 1, 1], [], []>, transpose_lhs_hint = false} : vector<1000x128xf32>, vector<128x64xf32>, vector<1000x64xf32> -> vector<1000x64xf32>
      %get3A_26 = arith.constant 0 : index
      %get3A_27 = arith.constant 0 : index
      %get3A_28 = vector.load %arg5[%get3A_26, %get3A_27] : memref<1x64xf32, #tpu.memory_space<vmem>>, vector<1x64xf32>
      %add3A = vector.broadcast %get3A_28 : vector<1x64xf32> to vector<1000x64xf32>
      %add3A_29 = arith.addf %dot_general3A_25, %add3A : vector<1000x64xf32>
      %swap3A_30 = arith.constant 0 : index
      %swap3A_31 = arith.constant 0 : index
      %swap3A_32 = vector.load %arg7[%swap3A_30, %swap3A_31] : memref<1000x128xf32, #tpu.memory_space<vmem>>, vector<1000x64xf32>
      tpu.vector_store %arg7[%swap3A_30, %swap3A_31], %add3A_29 {strides = array<i32>} : memref<1000x128xf32, #tpu.memory_space<vmem>>, vector<1000x64xf32>,
      %broadcast_in_dim3A_33 = arith.constant 0.000000e+00 : f32
      %broadcast_in_dim3A_34 = vector.broadcast %broadcast_in_dim3A_33 : f32 to vector<1000x64xf32>
      %swap3A_35 = arith.constant 0 : index
      %swap3A_36 = arith.constant 64 : index
      %swap3A_37 = vector.load %arg7[%swap3A_35, %swap3A_36] : memref<1000x128xf32, #tpu.memory_space<vmem>>, vector<1000x64xf32>
      tpu.vector_store %arg7[%swap3A_35, %swap3A_36], %broadcast_in_dim3A_34 {strides = array<i32>} : memref<1000x128xf32, #tpu.memory_space<vmem>>, vector<1000x64xf32>,
    } else {
    }
    %ge3A = arith.constant 10 : i32
    %ge3A_2 = arith.cmpi sge, %arg0, %ge3A : i32
    %convert_element_type3A_3 = arith.extui %ge3A_2 : i1 to i32
    %cond3A_4 = arith.constant 0 : i32
    %cond3A_5 = arith.cmpi ne, %convert_element_type3A_3, %cond3A_4 : i32
    scf.if %cond3A_5 {
      %get3A = arith.constant 0 : index
      %get3A_6 = arith.constant 0 : index
      %get3A_7 = vector.load %arg2[%get3A, %get3A_6] : memref<1000x128xf32, #tpu.memory_space<vmem>>, vector<1000x128xf32>
      %swap3A = arith.constant 0 : index
      %swap3A_8 = arith.constant 0 : index
      %swap3A_9 = vector.load %arg6[%swap3A, %swap3A_8] : memref<1000x256xf32, #tpu.memory_space<vmem>>, vector<1000x128xf32>
      tpu.vector_store %arg6[%swap3A, %swap3A_8], %get3A_7 {strides = array<i32>} : memref<1000x256xf32, #tpu.memory_space<vmem>>, vector<1000x128xf32>,
      %get3A_10 = arith.constant 0 : index
      %get3A_11 = arith.constant 0 : index
      %get3A_12 = vector.load %arg4[%get3A_10, %get3A_11] : memref<128x64xf32, #tpu.memory_space<vmem>>, vector<128x64xf32>
      %dot_general3A = arith.constant dense<0.000000e+00> : vector<1000x64xf32>
      %dot_general3A_13 = tpu.matmul %get3A_7, %get3A_12, %dot_general3A {dimension_numbers = #tpu.dot_dimension_numbers<[1], [0], [0], [1], [0, 0, 1, 1], [], []>, transpose_lhs_hint = false} : vector<1000x128xf32>, vector<128x64xf32>, vector<1000x64xf32> -> vector<1000x64xf32>
      %swap3A_14 = arith.constant 0 : index
      %swap3A_15 = arith.constant 128 : index
      %swap3A_16 = vector.load %arg6[%swap3A_14, %swap3A_15] : memref<1000x256xf32, #tpu.memory_space<vmem>>, vector<1000x64xf32>
      tpu.vector_store %arg6[%swap3A_14, %swap3A_15], %dot_general3A_13 {strides = array<i32>} : memref<1000x256xf32, #tpu.memory_space<vmem>>, vector<1000x64xf32>,
      %broadcast_in_dim3A = arith.constant 0.000000e+00 : f32
      %broadcast_in_dim3A_17 = vector.broadcast %broadcast_in_dim3A : f32 to vector<1000x64xf32>
      %swap3A_18 = arith.constant 0 : index
      %swap3A_19 = arith.constant 192 : index
      %swap3A_20 = vector.load %arg6[%swap3A_18, %swap3A_19] : memref<1000x256xf32, #tpu.memory_space<vmem>>, vector<1000x64xf32>
      tpu.vector_store %arg6[%swap3A_18, %swap3A_19], %broadcast_in_dim3A_17 {strides = array<i32>} : memref<1000x256xf32, #tpu.memory_space<vmem>>, vector<1000x64xf32>,
    } else {
    }
    return
  }
  func.func @transform_0(%arg0: i32) -> (i32, i32) {
    %min3A = arith.constant 9 : i32
    %min3A_0 = arith.minsi %arg0, %min3A : i32
    %c0_i32 = arith.constant 0 : i32
    %c0_i32_1 = arith.constant 0 : i32
    return %min3A_0, %c0_i32 : i32, i32
  }
  func.func @transform_1(%arg0: i32) -> (i32, i32) {
    %sub3A = arith.constant 10 : i32
    %sub3A_0 = arith.subi %arg0, %sub3A : i32
    %max3A = arith.constant 0 : i32
    %max3A_1 = arith.maxsi %sub3A_0, %max3A : i32
    %c0_i32 = arith.constant 0 : i32
    %c0_i32_2 = arith.constant 0 : i32
    return %max3A_1, %c0_i32 : i32, i32
  }
  func.func @transform_2(%arg0: i32) -> (i32, i32) {
    %c0_i32 = arith.constant 0 : i32
    %c0_i32_0 = arith.constant 0 : i32
    %c0_i32_1 = arith.constant 0 : i32
    return %c0_i32, %c0_i32_0 : i32, i32
  }
  func.func @transform_3(%arg0: i32) -> (i32, i32) {
    %c0_i32 = arith.constant 0 : i32
    %c0_i32_0 = arith.constant 0 : i32
    %c0_i32_1 = arith.constant 0 : i32
    return %c0_i32, %c0_i32_0 : i32, i32
  }
  func.func @transform_4(%arg0: i32) -> (i32, i32) {
    %c0_i32 = arith.constant 0 : i32
    %c0_i32_0 = arith.constant 0 : i32
    %c0_i32_1 = arith.constant 0 : i32
    return %c0_i32, %c0_i32_0 : i32, i32
  }
  func.func @transform_5(%arg0: i32) -> (i32, i32) {
    %c0_i32 = arith.constant 0 : i32
    %c0_i32_0 = arith.constant 0 : i32
    return %arg0, %c0_i32 : i32, i32
  }
  func.func @transform_6(%arg0: i32) -> (i32, i32) {
    %min3A = arith.constant 9 : i32
    %min3A_0 = arith.minsi %arg0, %min3A : i32
    %c0_i32 = arith.constant 0 : i32
    %c0_i32_1 = arith.constant 0 : i32
    return %min3A_0, %c0_i32 : i32, i32
  }
}

module attributes {stable_mosaic.version = 14 : i64} {
  func.func @_post_body(%arg0: i32, %arg1: memref<256x10000xf32, #tpu.memory_space<vmem>>, %arg2: memref<2x10240x128xf32, #tpu.memory_space<vmem>>, %arg3: memref<32x10240xf32, #tpu.memory_space<vmem>>, %arg4: memref<256x128xf32, #tpu.memory_space<vmem>>) attributes {dimension_semantics = [#tpu.dimension_semantics<arbitrary>], iteration_bounds = array<i64: 4>, scalar_prefetch = 0 : i64, scratch_operands = 0 : i64, tpu.core_type = #tpu.core_type<tc>, window_params = [{transform_indices = @transform_0, window_bounds = array<i64: 256, 10000>}, {pipeline_mode = #tpu.pipeline_mode<synchronous>, transform_indices = @transform_1, window_bounds = array<i64: 2, 10240, 128>}, {pipeline_mode = #tpu.pipeline_mode<synchronous>, transform_indices = @transform_2, window_bounds = array<i64: 32, 10240>}, {transform_indices = @transform_3, window_bounds = array<i64: 256, 128>}]} {
    %get3A = arith.constant 0 : index
    %get3A_0 = arith.constant 0 : index
    %get3A_1 = arith.constant 0 : index
    %get3A_2 = vector.load %arg2[%get3A, %get3A_0, %get3A_1] : memref<2x10240x128xf32, #tpu.memory_space<vmem>>, vector<1x10000x128xf32>
    %get3A_3 = vector.shape_cast %get3A_2 : vector<1x10000x128xf32> to vector<10000x128xf32>
    %get3A_4 = arith.constant 1 : index
    %get3A_5 = arith.constant 0 : index
    %get3A_6 = arith.constant 0 : index
    %get3A_7 = vector.load %arg2[%get3A_4, %get3A_5, %get3A_6] : memref<2x10240x128xf32, #tpu.memory_space<vmem>>, vector<1x10000x128xf32>
    %get3A_8 = vector.shape_cast %get3A_7 : vector<1x10000x128xf32> to vector<10000x128xf32>
    %add3A = arith.addf %get3A_3, %get3A_8 : vector<10000x128xf32>
    %get3A_9 = arith.constant 0 : index
    %get3A_10 = arith.constant 0 : index
    %get3A_11 = vector.load %arg3[%get3A_9, %get3A_10] : memref<32x10240xf32, #tpu.memory_space<vmem>>, vector<32x10240xf32>
    %reduce_sum3A = arith.constant dense<0.000000e+00> : vector<10240xf32>
    %reduce_sum3A_12 = vector.multi_reduction <add>, %get3A_11, %reduce_sum3A [0] : vector<32x10240xf32> to vector<10240xf32>
    %slice3A = vector.extract_strided_slice %reduce_sum3A_12 {offsets = [0], sizes = [10000], strides = [1]} : vector<10240xf32> to vector<10000xf32>
    %broadcast_in_dim3A = vector.shape_cast %slice3A : vector<10000xf32> to vector<10000x1xf32>
    %eq3A = arith.constant 0.000000e+00 : f32
    %eq3A_13 = vector.broadcast %eq3A : f32 to vector<10000x1xf32>
    %eq3A_14 = arith.cmpf oeq, %broadcast_in_dim3A, %eq3A_13 : vector<10000x1xf32>
    %jit3A = arith.constant 1.000000e+00 : f32
    %broadcast_in_dim3A_15 = vector.broadcast %jit3A : f32 to vector<10000x1xf32>
    %select_n3A = arith.select %eq3A_14, %broadcast_in_dim3A_15, %broadcast_in_dim3A : vector<10000x1xi1>, vector<10000x1xf32>
    %div3A = vector.broadcast %select_n3A : vector<10000x1xf32> to vector<10000x128xf32>
    %div3A_16 = arith.divf %add3A, %div3A : vector<10000x128xf32>
    %get3A_17 = arith.constant 0 : index
    %get3A_18 = arith.constant 0 : index
    %get3A_19 = vector.load %arg1[%get3A_17, %get3A_18] : memref<256x10000xf32, #tpu.memory_space<vmem>>, vector<256x10000xf32>
    %dot_general3A = arith.constant dense<0.000000e+00> : vector<256x128xf32>
    %dot_general3A_20 = tpu.matmul %get3A_19, %div3A_16, %dot_general3A {dimension_numbers = #tpu.dot_dimension_numbers<[1], [0], [0], [1], [0, 0, 1, 1], [], []>, transpose_lhs_hint = false} : vector<256x10000xf32>, vector<10000x128xf32>, vector<256x128xf32> -> vector<256x128xf32>
    %swap3A = arith.constant 0 : index
    %swap3A_21 = arith.constant 0 : index
    %swap3A_22 = vector.load %arg4[%swap3A, %swap3A_21] : memref<256x128xf32, #tpu.memory_space<vmem>>, vector<256x128xf32>
    tpu.vector_store %arg4[%swap3A, %swap3A_21], %dot_general3A_20 {strides = array<i32>} : memref<256x128xf32, #tpu.memory_space<vmem>>, vector<256x128xf32>,
    return
  }
  func.func @transform_0(%arg0: i32) -> (i32, i32) {
    %c0_i32 = arith.constant 0 : i32
    %c0_i32_0 = arith.constant 0 : i32
    return %arg0, %c0_i32 : i32, i32
  }
  func.func @transform_1(%arg0: i32) -> (i32, i32, i32) {
    %c0_i32 = arith.constant 0 : i32
    %c0_i32_0 = arith.constant 0 : i32
    %c0_i32_1 = arith.constant 0 : i32
    %c0_i32_2 = arith.constant 0 : i32
    return %c0_i32, %c0_i32_0, %c0_i32_1 : i32, i32, i32
  }
  func.func @transform_2(%arg0: i32) -> (i32, i32) {
    %c0_i32 = arith.constant 0 : i32
    %c0_i32_0 = arith.constant 0 : i32
    %c0_i32_1 = arith.constant 0 : i32
    return %c0_i32, %c0_i32_0 : i32, i32
  }
  func.func @transform_3(%arg0: i32) -> (i32, i32) {
    %c0_i32 = arith.constant 0 : i32
    %c0_i32_0 = arith.constant 0 : i32
    return %arg0, %c0_i32 : i32, i32
  }
}

</mosaic_0001>

<sc_bundles>
// kernel: kernel.5.cloned.1.call-start
scs
__scs_entry_jumppad:
0x0: {  	(pc) =	sbr.rel $0x88, $3  }
0x1: {  	(tag) =	ssettag $0x0;
	lr =	simm.s32 $0x1  }
0x2: {  	[smem:$0x3F99] =	sst lr;
	_ =	strace $0xD0000000  }
0x3: {  	_ = 	snop  }
0x4: {  	_ = 	snop  }
0x5: {  	_ = 	snop  }
0x6: {  	_ = 	snop  }
0x7: {  	_ = 	snop  }
__scs_overlays_trampoline_lowered:
0x8: {  	[smem:$0x3FA8] =	sst s0  }
0x9: {  	[smem:$0x3FA9] =	sst s1  }
0xa: {  	[smem:$0x3FAA] =	sst s2  }
0xb: {  	[smem:$0x3FAB] =	sst s3  }
0xc: {  	[smem:$0x3FAC] =	sst s4  }
0xd: {  	[smem:$0x3FAD] =	sst s5  }
0xe: {  	[smem:$0x3FAE] =	sst s6  }
0xf: {  	[smem:$0x3FAF] =	sst s7  }
0x10: {  	[smem:$0x3FB0] =	sst s8  }
0x11: {  	[smem:$0x3FB1] =	sst s9;
	s0 =	simm.s32 @!p0 $0x0  }
0x12: {  	s1 =	sld [smem:$0x3F97];
	s0 =	simm.s32 @p0 $0x1  }
0x13: {  	[smem:$0x3FB2] =	sst s0;
	s0 =	simm.s32 @!p1 $0x0  }
0x14: {  	s2 =	sld [smem:$0x3F96];
	s0 =	simm.s32 @p1 $0x1  }
0x15: {  	[smem:$0x3FB3] =	sst s0;
	s0 =	simm.s32 @!p2 $0x0  }
0x16: {  	s3 =	sld [smem:$0x3FDB];
	s0 =	simm.s32 @p2 $0x1  }
0x17: {  	s4 =	simm.s32 $0x1BF5;
	[smem:$0x3FB5] =	sst s0  }
0x18: {  	s0 =	sld [smem:$0x3F98];
	_ =	swait.ge [sflag:s4], $0x0  }
0x19: {  	s7 =	sld [smem:$0x3F99]  }
0x1a: {  	s8 =	sadd.s32 $0xFFFFE003, lr  }
0x1b: {  	s9 =	sadd.s32 $0xFFFFFEF7, lr;
	s5 =	simm.s32 $0xFFFFFFFF;
	p2 =	slt.u32 s8, $0xFFFFF086  }
0x1c: {  	p1 =	slt.u32 s9, $0xF7A;
	s5 =	simm.s32 @!p2 $0x0  }
0x1d: {  	s5 =	simm.s32 @p1 $0x1;
	p0 =	seq.s32 s7, s2  }
0x1e: {  	s7 =	smul.u32 @!p0 $0xF7A, s2;
	p2 =	seq.s32 @!p0 s5, $0x0  }
0x1f: {  	s9 =	smul.u32 $0xF7A, s1;
	s8 =	simm.s32 @!p0 $0x1BF5;
	p2 =	por !p2, p0  }
0x20: {  	[sflag:s8] =	ssyncset.s32 @!p0 $0xFFFFF086;
	s6 =	sadd.s32 @!p0 s3, s7;
	s7 =	simm.s32 @!p0 $0x108  }
0x21: {  	s3 =	sadd.s32 s3, s9;
	s6 =	sadd.s32 @!p0 $0x88, s6;
	s7 =	simm.s32 @p2 $0x1082  }
0x22: {  	[simem:s7], [sflag:s8] =	dma.local @!p0 [hbm:s6], $0xF7A  }
0x23: {  	s9 =	sor.u32 $0xD0000000, s2;
	s6 =	simm.s32 $0x108;
	_ =	swait.ge @!p0 [sflag:s8], $0x0  }
0x24: {  	s3 =	sadd.s32 $0x88, s3;
	s6 =	simm.s32 @!p1 $0x1082;
	[sflag:s4] =	ssyncset.s32 $0xFFFFF086  }
0x25: {  	[simem:s6], [sflag:s4] =	dma.local [hbm:s3], $0xF7A  }
0x26: {  	[smem:$0x3F99] =	sst s1;
	(tag) =	ssettag s2;
	_ =	strace s9  }
0x27: {  	s1 =	sld [smem:$0x3FA9]  }
0x28: {  	s2 =	sld [smem:$0x3FAA]  }
0x29: {  	s4 =	sld [smem:$0x3FAC]  }
0x2a: {  	p0 =	seq.s32 s5, $0x0;
	s5 =	sld [smem:$0x3FAD]  }
0x2b: {  	s6 =	sld [smem:$0x3FAE]  }
0x2c: {  	s7 =	sld [smem:$0x3FAF]  }
0x2d: {  	s3 =	simm.s32 $0x108;
	s8 =	sld [smem:$0x3FB0]  }
0x2e: {  	s3 =	simm.s32 @!p0 $0x1082;
	s9 =	sld [smem:$0x3FB1]  }
0x2f: {  	lr =	sadd.s32 s0, s3;
	s0 =	sld [smem:$0x3FA8]  }
0x30: {  	s3 =	sld [smem:$0x3FAB]  }
0x31: {  	[smem:$0x3FB4] =	sst s10  }
0x32: {  	s10 =	sld [smem:$0x3FB2];
	_ =	sdelay $0x3  }
0x33: {  	p0 =	seq.s32 s10, $0x1;
	s10 =	sld [smem:$0x3FB4];
	_ =	sdelay $0x3  }
0x34: {  	[smem:$0x3FB4] =	sst s10  }
0x35: {  	s10 =	sld [smem:$0x3FB3];
	_ =	sdelay $0x3  }
0x36: {  	p1 =	seq.s32 s10, $0x1;
	s10 =	sld [smem:$0x3FB4];
	_ =	sdelay $0x3  }
0x37: {  	[smem:$0x3FB4] =	sst s10  }
0x38: {  	s10 =	sld [smem:$0x3FB5]  }
0x39: {  	_ = 	snop;
	(pc) =	sbr.ind lr, $3  }
0x3a: {  	_ = 	snop  }
0x3b: {  	_ = 	snop  }
0x3c: {  	p2 =	seq.s32 s10, $0x1;
	s10 =	sld [smem:$0x3FB4]  }
0x3d: {  	_ =	shalt  }
0x3e: {  	_ =	shalt  }
0x3f: {  	_ =	shalt  }
0x40: {  	_ =	shalt  }
0x41: {  	_ =	shalt  }
0x42: {  	_ =	shalt  }
0x43: {  	_ =	shalt  }
0x44: {  	_ =	shalt  }
0x45: {  	_ =	shalt  }
0x46: {  	_ =	shalt  }
0x47: {  	_ =	shalt  }
0x48: {  	_ =	shalt  }
0x49: {  	_ =	shalt  }
0x4a: {  	_ =	shalt  }
0x4b: {  	_ =	shalt  }
0x4c: {  	_ =	shalt  }
0x4d: {  	_ =	shalt  }
0x4e: {  	_ =	shalt  }
0x4f: {  	_ =	shalt  }
0x50: {  	_ =	shalt  }
0x51: {  	_ =	shalt  }
0x52: {  	_ =	shalt  }
0x53: {  	_ =	shalt  }
0x54: {  	_ =	shalt  }
0x55: {  	_ =	shalt  }
0x56: {  	_ =	shalt  }
0x57: {  	_ =	shalt  }
0x58: {  	_ =	shalt  }
0x59: {  	_ =	shalt  }
0x5a: {  	_ =	shalt  }
0x5b: {  	_ =	shalt  }
0x5c: {  	_ =	shalt  }
0x5d: {  	_ =	shalt  }
0x5e: {  	_ =	shalt  }
0x5f: {  	_ =	shalt  }
0x60: {  	_ =	shalt  }
0x61: {  	_ =	shalt  }
0x62: {  	_ =	shalt  }
0x63: {  	_ =	shalt  }
0x64: {  	_ =	shalt  }
0x65: {  	_ =	shalt  }
0x66: {  	_ =	shalt  }
0x67: {  	_ =	shalt  }
0x68: {  	_ =	shalt  }
0x69: {  	_ =	shalt  }
0x6a: {  	_ =	shalt  }
0x6b: {  	_ =	shalt  }
0x6c: {  	_ =	shalt  }
0x6d: {  	_ =	shalt  }
0x6e: {  	_ =	shalt  }
0x6f: {  	_ =	shalt  }
0x70: {  	_ =	shalt  }
0x71: {  	_ =	shalt  }
0x72: {  	_ =	shalt  }
0x73: {  	_ =	shalt  }
0x74: {  	_ =	shalt  }
0x75: {  	_ =	shalt  }
0x76: {  	_ =	shalt  }
0x77: {  	_ =	shalt  }
0x78: {  	_ =	shalt  }
0x79: {  	_ =	shalt  }
0x7a: {  	_ =	shalt  }
0x7b: {  	_ =	shalt  }
0x7c: {  	_ =	shalt  }
0x7d: {  	_ =	shalt  }
0x7e: {  	_ =	shalt  }
0x7f: {  	_ =	shalt  }
0x80: {  	_ =	shalt  }
0x81: {  	_ =	shalt  }
0x82: {  	_ =	shalt  }
0x83: {  	_ =	shalt  }
0x84: {  	_ =	shalt  }
0x85: {  	_ =	shalt  }
0x86: {  	_ =	shalt  }
0x87: {  	_ =	shalt  }
.Lfunc_end0:
.L_simem_size_0:
called_computation_lowered:
.L_overlay_start_0:
0x88: {  	s2 =	sld [smem:$0x3FD9]  }
0x89: {  	s3 =	sld [smem:$0x3FFE];
	_ =	sdelay $0x1  }
0x8a: {  	s1 =	srdreg.scid  }
0x8b: {  	s0 =	sand.u32 $0x1, s1  }
0x8c: {  	s17 =	sshll.u32 s0, $0xA;
	s2 =	sadd.s32 s3, s2  }
0x8d: {  	s2 =	sadd.s32 s2, s17  }
0x8e: {  	[smem:$0x3FC0] =	sst s2  }
0x8f: {  	_ = 	snop  }
0x90: {  	s2 =	sld [smem:$0x3FC4]  }
0x91: {  	s18 =	sld [smem:$0x3FC3]  }
0x92: {  	s4 =	sld [smem:$0x3FC2];
	(tm) =	ssettm $0x1  }
0x93: {  	s5 =	sld [smem:$0x3FFB];
	_ =	sdelay $0x3  }
0x94: {  	_ =	strace s5  }
0x95: {  	s5 =	sld [smem:$0x3FFC];
	_ =	sdelay $0x3  }
0x96: {  	_ =	strace s5  }
0x97: {  	s5 =	sld [smem:$0x3FFD];
	_ =	sdelay $0x3  }
0x98: {  	_ =	strace s5  }
0x99: {  	_ =	strace $0x8FFFFFFF  }
0x9a: {  	s19 =	sld [smem:$0x3FDB];
	_ =	sdelay $0x1  }
0x9b: {  	s6 =	simm.s32 $_scs_section_size  }
0x9c: {  	s7 =	simm.s32 $_size__tile_overlayer_lowered;
	s8 =	simm.s32 $_tile_overlayer_lowered  }
0x9d: {  	s22 =	simm.s32 $0x1BFF;
	s21 =	sshll.u32 s8, $0x1;
	s5 =	sadd.s32 s6, s19  }
0x9e: {  	s9 =	simm.s32 $0x0;
	s20 =	sshll.u32 s7, $0x1;
	s7 =	sadd.s32 s21, s5  }
0x9f: {  	[timem:s9], [sflag:s22] =	dma.local [hbm:s7], s20  }
0xa0: {  	_ =	swait.ge [sflag:s22], s20  }
0xa1: {  	s6 =	ssub.s32 $0x0, s20;
	[sflag:s22] =	ssyncset.done $0x0  }
0xa2: {  	[sflag:s22] =	ssyncadd.s32 s6;
	_ =	sdelay $0x1  }
0xa3: {  	s23 =	simm.s32 $0x1B8B  }
0xa4: {  	_ =	swait.ge [sflag:s23], $0x1  }
0xa5: {  	[sflag:s23] =	ssyncset.done $0x0  }
0xa6: {  	s25 =	simm.s32 $0x1B8E;
	s24 =	sld [smem:$0x3FFE];
	[sflag:s23] =	ssyncadd.s32 $0xFFFFFFFF  }
0xa7: {  	s26 =	simm.s32 $execute0_lowered;
	[smem:$0x3FD2] =	sst s25  }
0xa8: {  	s7 =	sshll.u32 s26, $0x1;
	_ =	strace $0x80000046;
	[dreg:$0x1] =	wrdreg $0xFFFFFFFF  }
0xa9: {  	s28 =	simm.s32 $_size_execute0_lowered;
	s5 =	sadd.s32 s5, s7;
	[dreg:$0x0] =	wrdreg $0x0  }
0xaa: {  	s7 =	sshll.u32 s28, $0x1;
	[dreg:$0x2] =	wrdreg s5  }
0xab: {  	[dreg:$0x3] =	wrdreg s7  }
0xac: {  	[dreg:$0x4] =	wrdreg $0xC0  }
0xad: {  	_ =	task [dreg:s9], $0x5FFFF  }
0xae: {  	[dreg:$0x1] =	wrdreg $0xFFFFFFFF  }
0xaf: {  	[dreg:$0x0] =	wrdreg $0x60  }
0xb0: {  	[dreg:$0x2] =	wrdreg s24  }
0xb1: {  	[dreg:$0x3] =	wrdreg s2  }
0xb2: {  	[dreg:$0x4] =	wrdreg s18  }
0xb3: {  	[dreg:$0x5] =	wrdreg s4  }
0xb4: {  	[dreg:$0x6] =	wrdreg $0x6A800  }
0xb5: {  	[dreg:$0x7] =	wrdreg $0x9  }
0xb6: {  	_ =	task.clear_ibuf [dreg:s9], $0x8FFFF;
	_ =	strace $0x90000046  }
0xb7: {  	s29 =	simm.s32 $0x9;
	_ =	strace $0x80000048  }
0xb8: {  	_ =	swait.ge [sflag:s29], $0x1  }
0xb9: {  	[sflag:s29] =	ssyncadd.s32 $0xFFFFFFFF  }
0xba: {  	_ =	strace $0x90000048  }
0xbb: {  	_ =	sfence  }
0xbc: {  	s30 =	sld [smem:$0x0];
	_ =	sdelay $0x2  }
0xbd: {  	s31 =	sshll.u32 s1, $0xD;
	s1 =	sshrl.u32 s1, $0x2  }
0xbe: {  	s3 =	sand.u32 $0x4000, s31;
	s1 =	sadd.s32 s1, s30  }
0xbf: {  	s0 =	sor.u32 s3, s0;
	s1 =	sshll.u32 s1, $0x11  }
0xc0: {  	s0 =	sor.u32 s1, s0  }
0xc1: {  	s0 =	sadd.s32 $0x8F2B, s0  }
0xc2: {  	[sflag:s0] =	ssyncadd.remote.s32 $0x1  }
0xc3: {  	_ =	sfence.sel $0xFFFF  }
0xc4: {  	[dreg:$0x0] =	wrdreg $0xFFFFFFFF;
	(pc) =	sbr.abs _section_cstart, $3  }
0xc5: {  	[dreg:$0x1] =	wrdreg $0xFFFFFFFF  }
0xc6: {  	_ =	task.clear_ibuf [dreg:s9], $0x2FFFF;
	_ =	strace $0x9FFFFFFF  }
0xc7: {  	(tm) =	ssettm $0x7FFFFFFF  }
tec
execute0_lowered:
.L_overlay_start_1:
0x0: {  	(tag) =	ssettag $0x1  }
0x1: {  	s0 =	rddreg [dreg:$0x0]  }
0x2: {  	s2 =	rddreg [dreg:$0x2]  }
0x3: {  	s3 =	rddreg [dreg:$0x3]  }
0x4: {  	s5 =	rddreg [dreg:$0x4];
	s1 =	srdreg.scid;
	s4 =	simm.s32 $0x0  }
0x5: {  	s12 =	stileid.u32;
	s17 =	simm.s32 $0x6;
	s18 =	simm.s32 $0x1900  }
0x6: {  	v0 =	vimm.s32 $0xEDCBA987;
	v1 =	vlaneseq.u32;
	s19 =	simm.s32 $0x80;
	s28 =	simm.s32 $0x2;
	s30 =	simm.s32 $0x2A00  }
0x7: {  	v3 =	vimm.s32 $0x65432100;
	vm0 =	vmmov $0xffff;
	s31 =	simm.s32 $0x3200;
	s16 =	simm.s32 $0x3A00;
	s1 =	sand.u32 $0x1, s1;
	v2 =	vunpack.c.l.s4.s8 v0  }
0x8: {  	v7 =	vimm.s32 $0x54321000;
	v8 =	vimm.s32 $0xE40000;
	v9 =	vimm.s32 $0xBA987654;
	[smem:$0x7FF] =	sst s4;
	s6 =	sshll.u32 s12, $0x1;
	s9 =	smul.u32 $0x14000, s12  }
0x9: {  	s7 =	sshrl.u32 s12, $0x2;
	v4 =	vshrl.u32 v1, $0x3;
	v5 =	vunpack.c.l.s4.s8 v3;
	s8 =	sadd.s32 $0x76C00, s0;
	s23 =	smul.u32 $0x50000, s12;
	v6 =	vunpack.c.0.s8.s32 v2  }
0xa: {  	v11 =	vimm.s32 $0x87654321;
	vm1 =	vcmask $0x3F30;
	s12 =	simm.s32 $0x0;
	s21 =	smul.u32 $0x140000, s1;
	s6 =	sor.u32 s1, s6;
	v3 =	vmul.u32 $0x8, v4  }
0xb: {  	_ =	strace $0x80000047;
	s10 =	smul.u32 $0x14000, s7;
	s1 =	ssub.s32 $0x2, s1;
	v4 =	vunpack.c.0.s8.s32 v5;
	v5 =	vand.u32 $0xF, v6;
	v6 =	vimm.s32 $0xDCBA9876  }
0xc: {  	vm2 =	vmmov $0xf;
	v8 =	vunpack.c.l.s2.s4 v8;
	s7 =	sadd.s32 $0x1800, s0;
	s11 =	sshll.u32 s6, $0x7;
	s24 =	sshrl.u32 s1, $0x1;
	v6 =	vunpack.c.l.s4.s8 v6  }
0xd: {  	vm3 =	vmmov $0xff;
	vm4 =	vmmov $0x1;
	v7 =	vunpack.c.l.s4.s8 v7;
	s11 =	sand.u32 $0x380, s11;
	s4 =	sadd.s32 s9, s21;
	s9 =	smul.u32 $0x2710, s6  }
0xe: {  	v8 =	vunpack.c.l.s4.s8 v8;
	s1 =	ssub.s32 s1, s24;
	s21 =	simm.s32 $0x2180;
	s24 =	simm.s32 $0x900;
	v4 =	vcombine.low v4, v5;
	v5 =	vunpack.c.0.s8.s32 v6  }
0xf: {  	vm5 =	vcmask $0x3F3C;
	v11 =	vunpack.c.l.s4.s8 v11;
	v7 =	vunpack.c.0.s8.s32 v7;
	s22 =	sor.u32 s10, s11;
	s4 =	sshrl.u32 s4, $0x3;
	s10 =	sshrl.u32 s23, $0x2  }
0x10: {  	s29 =	smax.u32 s1, $0x1;
	v8 =	vunpack.c.0.s8.s32 v8;
	s23 =	simm.s32 $0x100;
	s1 =	simm.s32 $0x4280;
	v6 =	vunpack.c.l.s4.s8 v9;
	v5 =	vand.u32 $0xF, v5  }
0x11: {  	s11 =	sshrl.u32 s22, $0x3;
	s4 =	sadd.s32 s4, s0;
	s25 =	sshrl.u32 s9, $0x3;
	v9 =	vimm.s32 $0x32100000;
	v5 =	vcombine.low v7, v5;
	v7 =	vimm.s32 $0x7060504  }
0x12: {  	s10 =	sadd.s32 s10, s5;
	[dreg:$0xa] =	wrdreg s29;
	s22 =	simm.s32 $0x1;
	v9 =	vunpack.c.l.s4.s8 v9;
	v10 =	vunpack.c.0.s8.s32 v7;
	v7 =	vimm.s32 $0xFFEDCBA9  }
0x13: {  	v0 =	vimm.f32 $0.0e+00;
	s0 =	sadd.s32 s11, s0;
	s26 =	sadd.s32 $0x4E0, s25;
	s4 =	sadd.s32 $0x9DE00, s4;
	v6 =	vunpack.c.0.s8.s32 v6;
	v12 =	vunpack.c.l.s4.s8 v7  }
0x14: {  	v11 =	vunpack.c.0.s8.s32 v11;
	v8 =	vand.u32 $0x3, v8;
	s25 =	simm.s32 $0x10;
	s11 =	sadd.s32 s2, s26;
	[dreg:$0x8] =	wrdreg s4;
	v9 =	vunpack.c.0.s8.s32 v9  }
0x15: {  	s6 =	sadd.s32 s3, s26;
	s0 =	sadd.s32 $0xEDE00, s0;
	[dreg:$0x6] =	wrdreg s11;
	v6 =	vand.u32 $0xF, v6;
	v8 =	vsel vm1, v10, v8;
	v10 =	vunpack.c.0.s8.s32 v12  }
0x16: {  	v2 =	vand.u32 $0x7, v1;
	s26 =	simm.s32 $0x1100;
	s4 =	simm.s32 $0x5;
	[dreg:$0x7] =	wrdreg s6;
	v6 =	vcombine.low v9, v6;
	v7 =	vor.u32 $0x8, v1  }
0x17: {  	[dreg:$0x9] =	wrdreg s0;
	s0 =	simm.s32 $0x3;
	s6 =	simm.s32 $0x4;
	v9 =	vperm.xlane v0, v4;
	vm1 =	vmmov $0x3;
	v10 =	vcombine.low v11, v10  }
.LBB2_1:
0x18: {  	[dreg:$0xb] =	wrdreg s12  }
0x19: {  	s11 =	rddreg [dreg:$0x1];
	s29 =	simm.s32 $0x0;
	s13 =	simm.s32 $0x4200  }
0x1a: {  	[tilespmem:s13], [sflag:$0x6] =	stream.linear.gather [hbm4b:s11+s29], $0x80, $0x38;
	[tilespmem:$0x1AA80] =	vst v63  }
0x1b: {  	_ =	swait.ge [sflag:s17], $0x80  }
0x1c: {  	[sflag:s17] =	ssyncset.done $0x0  }
0x1d: {  	s12 =	simm.s32 $0x0;
	s11 =	simm.s32 $0x40;
	[sflag:s17] =	ssyncadd.s32 $0xFFFFFF80  }
.LBB2_2:
0x1e: {  	p0 =	sne.s32 s11, $0x9FC0;
	[tilespmem:s12+$0x4280] =	vst v0;
	s12 =	smov.u32 s11;
	s11 =	sadd.s32 $0x40, s11  }
.Ltmp0:
0x1f: {  	(pc) =	sbr.rel @p0 .LBB2_2-.Ltmp0, $2  }
0x20: {  	_ =	sdelay $0x2  }
0x21: {  	s12 =	sshra.s32 s12, $0x2  }
0x22: {  	s11 =	simm.s32 $0x0  }
0x23: {  	s13 =	sand.u32 $0x1E00, s11  }
0x24: {  	s14 =	sand.u32 $0x70, s11;
	s13 =	sshrl.u32 s13, $0x2  }
0x25: {  	[tilespmem:s12+$0x4280] =	vst v0;
	s12 =	simm.s32 $0x40;
	s13 =	sor.u32 s14, s13  }
.LBB2_4:
0x26: {  	p0 =	sne.s32 s12, $0x1FC0  }
0x27: {  	[tilespmem:s13+$0x1900] =	vst v0;
	s11 =	sadd.s32 $0x10, s11;
	s13 =	smov.u32 s12;
	s12 =	sadd.s32 $0x40, s12  }
.Ltmp1:
0x28: {  	(pc) =	sbr.rel @p0 .LBB2_4-.Ltmp1, $4  }
0x29: {  	_ = 	snop  }
0x2a: {  	s13 =	sand.u32 $0x1E00, s13  }
0x2b: {  	s14 =	sand.u32 $0x70, s11;
	s13 =	sshrl.u32 s13, $0x2  }
0x2c: {  	s13 =	sor.u32 s14, s13  }
0x2d: {  	[tilespmem:s13+$0x1900] =	vst v0;
	s11 =	sadd.s32 $0x0, s10  }
0x2e: {  	[spmem:s11] =	stream.linear.scatter [tilespmem:s18], [sflag:$0x6], $0x800, $0x38;
	[tilespmem:$0x1AA80] =	vst v63  }
0x2f: {  	s11 =	simm.s32 $0x2000;
	_ =	swait.ge [sflag:s17], $0x800  }
.LBB2_6:
0x30: {  	s12 =	sshra.s32 s11, $0x2;
	[sflag:s17] =	ssyncset.done $0x0;
	p0 =	sne.s32 s11, $0x4E000  }
.Ltmp2:
0x31: {  	s12 =	sadd.s32 s12, s10;
	[sflag:s17] =	ssyncadd.s32 $0xFFFFF800;
	(pc) =	sbr.rel @p0 .LBB2_6-.Ltmp2, $3  }
0x32: {  	[spmem:s12] =	stream.linear.scatter [tilespmem:s18], [sflag:$0x6], $0x800, $0x38;
	[tilespmem:$0x1AA80] =	vst v63  }
0x33: {  	s11 =	sadd.s32 $0x2000, s11;
	_ =	sdelay $0x1  }
0x34: {  	_ =	swait.ge [sflag:s17], $0x800  }
0x35: {  	[sflag:s17] =	ssyncset.done $0x0  }
0x36: {  	[sflag:s17] =	ssyncadd.s32 $0xFFFFF800  }
0x37: {  	s12 =	simm.s32 $0x0;
	s13 =	simm.s32 $0x0;
	[bflag:$0x0] =	sbarrier.arrive $0xFFFF  }
.LBB2_8:
0x38: {  	s11 =	sshll.u32 s13, $0x5  }
0x39: {  	s11 =	sadd.s32 s9, s11  }
0x3a: {  	s11 =	sshrl.u32 s11, $0x3  }
0x3b: {  	s14 =	sadd.s32 s2, s11  }
0x3c: {  	[tilespmem:s12], [sflag:$0x1] =	stream.linear.gather [hbm4b:s14+s12], $0x10, $0x38;
	[tilespmem:$0x1AA80] =	vst v63  }
0x3d: {  	s15 =	sadd.s32 s3, s11;
	s11 =	sadd.s32 $0x2, s11  }
0x3e: {  	[tilespmem:s19], [sflag:$0x1] =	stream.linear.gather [hbm4b:s15+s12], $0x10, $0x38;
	[tilespmem:$0x1AA80] =	vst v63  }
0x3f: {  	s20 =	sadd.s32 s2, s11;
	s15 =	simm.s32 $0x2100  }
0x40: {  	[tilespmem:s15], [sflag:$0x2] =	stream.linear.gather [hbm4b:s20+s12], $0x10, $0x38;
	[tilespmem:$0x1AA80] =	vst v63  }
0x41: {  	s11 =	sadd.s32 s3, s11  }
0x42: {  	[tilespmem:s21], [sflag:$0x2] =	stream.linear.gather [hbm4b:s11+s12], $0x10, $0x38;
	[tilespmem:$0x1AA80] =	vst v63  }
0x43: {  	_ =	swait.ge [sflag:s22], $0x10  }
0x44: {  	[sflag:s22] =	ssyncset.done $0x0  }
0x45: {  	[sflag:s22] =	ssyncadd.s32 $0xFFFFFFF0  }
0x46: {  	_ =	swait.ge [sflag:s22], $0x10  }
0x47: {  	[sflag:s22] =	ssyncset.done $0x0  }
0x48: {  	[sflag:s22] =	ssyncadd.s32 $0xFFFFFFF0  }
0x49: {  	v11 =	vld [tilespmem:$0x0];
	_ =	sdelay $0x4  }
0x4a: {  	v12 =	vshll.u32 v11, $0x1  }
0x4b: {  	v11 =	vand.u32 $0x7, v11;
	v12 =	vand.u32 $0xFFFFFFF0, v12  }
0x4c: {  	v11 =	vor.u32 v11, v12  }
0x4d: {  	v12 =	vperm.xlane v11, v2;
	_ =	sdelay $0x1  }
0x4e: {  	v11 =	vperm.xlane v11, v7;
	v12 =	vadd.s32 v3, v12;
	_ =	sdelay $0x1  }
0x4f: {  	v11 =	vadd.s32 v3, v11;
	_ =	sdelay $0x2  }
0x50: {  	[tilespmem:s23], [sflag:$0x3] =	stream.indirect_vreg.gather [hbm4b:s7+s12], $0x80, v12, vm0, $0xb8;
	[tilespmem:$0x1AA80] =	vst v63  }
0x51: {  	_ = 	snop  }
0x52: {  	[tilespmem:s24], [sflag:$0x3] =	stream.indirect_vreg.gather [hbm4b:s7+s12], $0x80, v11, vm0, $0xb8;
	[tilespmem:$0x1AA80] =	vst v63  }
0x53: {  	_ = 	snop  }
0x54: {  	[tilespmem:s26], [sflag:$0x3] =	stream.indirect.gather [hbm4b:s8+s25], $0x80, s19, s25, $0xb8;
	[tilespmem:$0x1AA80] =	vst v63  }
0x55: {  	_ =	swait.ge [sflag:s28], $0x10  }
0x56: {  	[sflag:s28] =	ssyncset.done $0x0  }
0x57: {  	[sflag:s28] =	ssyncadd.s32 $0xFFFFFFF0  }
0x58: {  	_ =	swait.ge [sflag:s28], $0x10  }
0x59: {  	[sflag:s28] =	ssyncset.done $0x0  }
0x5a: {  	[sflag:s28] =	ssyncadd.s32 $0xFFFFFFF0  }
0x5b: {  	v11 =	vld [tilespmem:$0x2100];
	_ =	sdelay $0x4  }
0x5c: {  	v63 =	vshll.u32 v11, $0x1  }
0x5d: {  	v11 =	vand.u32 $0x7, v11;
	v12 =	vand.u32 $0xFFFFFFF0, v63  }
0x5e: {  	v11 =	vor.u32 v11, v12  }
0x5f: {  	v12 =	vperm.xlane v11, v2;
	_ =	sdelay $0x1  }
0x60: {  	v11 =	vperm.xlane v11, v7;
	v12 =	vadd.s32 v3, v12;
	_ =	sdelay $0x1  }
0x61: {  	v11 =	vadd.s32 v3, v11;
	_ =	sdelay $0x1  }
0x62: {  	s14 =	simm.s32 $0x2200  }
0x63: {  	[tilespmem:s14], [sflag:$0x4] =	stream.indirect_vreg.gather [hbm4b:s7+s12], $0x80, v12, vm0, $0xb8;
	[tilespmem:$0x1AA80] =	vst v63  }
0x64: {  	_ = 	snop  }
0x65: {  	[tilespmem:s30], [sflag:$0x4] =	stream.indirect_vreg.gather [hbm4b:s7+s12], $0x80, v11, vm0, $0xb8;
	[tilespmem:$0x1AA80] =	vst v63  }
0x66: {  	_ = 	snop  }
0x67: {  	[tilespmem:s31], [sflag:$0x4] =	stream.indirect.gather [hbm4b:s8+s25], $0x80, s21, s25, $0xb8;
	[tilespmem:$0x1AA80] =	vst v63  }
0x68: {  	_ =	swait.ge [sflag:s0], $0x1000  }
0x69: {  	[sflag:s0] =	ssyncset.done $0x0  }
0x6a: {  	[sflag:s0] =	ssyncadd.s32 $0xFFFFF000  }
0x6b: {  	_ =	swait.ge [sflag:s0], $0x800  }
0x6c: {  	s15 =	sand.u32 $0x800, s12;
	s20 =	sand.u32 $0x380, s12;
	[sflag:s0] =	ssyncset.done $0x0  }
0x6d: {  	s11 =	sor.u32 s20, s15;
	[sflag:s0] =	ssyncadd.s32 $0xFFFFF800  }
0x6e: {  	v11 =	vld [tilespmem:s11+$0x100];
	_ =	sdelay $0x3  }
0x6f: {  	s14 =	simm.s32 $0x1940  }
0x70: {  	[tilespmem:s14+$0xFFFFFFC0] =	vst v11  }
0x71: {  	v11 =	vld [tilespmem:s11+$0x110];
	_ =	sdelay $0x4  }
0x72: {  	[tilespmem:s14+$0xFFFFFFD0] =	vst v11  }
0x73: {  	v11 =	vld [tilespmem:s11+$0x120];
	_ =	sdelay $0x4  }
0x74: {  	[tilespmem:s14+$0xFFFFFFE0] =	vst v11  }
0x75: {  	v11 =	vld [tilespmem:s11+$0x130];
	_ =	sdelay $0x4  }
0x76: {  	[tilespmem:s14+$0xFFFFFFF0] =	vst v11  }
0x77: {  	v11 =	vld [tilespmem:s11+$0x140];
	_ =	sdelay $0x4  }
0x78: {  	[tilespmem:s14+$0x0] =	vst v11  }
0x79: {  	v11 =	vld [tilespmem:s11+$0x150];
	_ =	sdelay $0x4  }
0x7a: {  	[tilespmem:s14+$0x10] =	vst v11  }
0x7b: {  	v11 =	vld [tilespmem:s11+$0x160];
	_ =	sdelay $0x4  }
0x7c: {  	[tilespmem:s14+$0x20] =	vst v11  }
0x7d: {  	v11 =	vld [tilespmem:s11+$0x170];
	_ =	sdelay $0x2  }
0x7e: {  	s20 =	simm.s32 $0x100;
	s15 =	simm.s32 $0x80  }
0x7f: {  	s20 =	sand.u32 $0x800, s20;
	s29 =	sand.u32 $0x380, s15;
	s11 =	simm.s32 $0x200  }
.LBB2_9:
0x80: {  	p0 =	sne.s32 s11, $0xF00;
	s20 =	sor.u32 s29, s20;
	[tilespmem:s14+$0x30] =	vst v11  }
0x81: {  	v11 =	vld [tilespmem:s20+$0x100];
	_ =	sdelay $0x3  }
0x82: {  	s14 =	sadd.s32 $0x80, s14  }
0x83: {  	[tilespmem:s14+$0xFFFFFFC0] =	vst v11  }
0x84: {  	v11 =	vld [tilespmem:s20+$0x110];
	_ =	sdelay $0x4  }
0x85: {  	[tilespmem:s14+$0xFFFFFFD0] =	vst v11  }
0x86: {  	v11 =	vld [tilespmem:s20+$0x120];
	_ =	sdelay $0x4  }
0x87: {  	[tilespmem:s14+$0xFFFFFFE0] =	vst v11  }
0x88: {  	v11 =	vld [tilespmem:s20+$0x130];
	_ =	sdelay $0x4  }
0x89: {  	[tilespmem:s14+$0xFFFFFFF0] =	vst v11  }
0x8a: {  	v11 =	vld [tilespmem:s20+$0x140];
	_ =	sdelay $0x4  }
0x8b: {  	[tilespmem:s14+$0x0] =	vst v11  }
0x8c: {  	v11 =	vld [tilespmem:s20+$0x150];
	_ =	sdelay $0x4  }
0x8d: {  	[tilespmem:s14+$0x10] =	vst v11  }
0x8e: {  	v11 =	vld [tilespmem:s20+$0x160];
	_ =	sdelay $0x4  }
0x8f: {  	[tilespmem:s14+$0x20] =	vst v11  }
.Ltmp3:
0x90: {  	v11 =	vld [tilespmem:s20+$0x170];
	(pc) =	sbr.rel @p0 .LBB2_9-.Ltmp3, $3  }
0x91: {  	_ =	sdelay $0x1  }
0x92: {  	s15 =	sadd.s32 $0x80, s15  }
0x93: {  	s29 =	sand.u32 $0x380, s15;
	s20 =	sand.u32 $0x800, s11;
	s11 =	sadd.s32 $0x100, s11  }
0x94: {  	s11 =	sor.u32 s29, s20;
	[tilespmem:s14+$0x30] =	vst v11  }
0x95: {  	v11 =	vld [tilespmem:s11+$0x100];
	_ =	sdelay $0x3  }
0x96: {  	s20 =	sadd.s32 $0x80, s14  }
0x97: {  	[tilespmem:s20+$0xFFFFFFC0] =	vst v11  }
0x98: {  	v11 =	vld [tilespmem:s11+$0x110];
	_ =	sdelay $0x4  }
0x99: {  	[tilespmem:s20+$0xFFFFFFD0] =	vst v11  }
0x9a: {  	v11 =	vld [tilespmem:s11+$0x120];
	_ =	sdelay $0x4  }
0x9b: {  	[tilespmem:s20+$0xFFFFFFE0] =	vst v11  }
0x9c: {  	v11 =	vld [tilespmem:s11+$0x130];
	_ =	sdelay $0x4  }
0x9d: {  	[tilespmem:s20+$0xFFFFFFF0] =	vst v11  }
0x9e: {  	v11 =	vld [tilespmem:s11+$0x140];
	_ =	sdelay $0x4  }
0x9f: {  	[tilespmem:s20+$0x0] =	vst v11  }
0xa0: {  	v11 =	vld [tilespmem:s11+$0x150];
	_ =	sdelay $0x4  }
0xa1: {  	[tilespmem:s20+$0x10] =	vst v11  }
0xa2: {  	v11 =	vld [tilespmem:s11+$0x160];
	_ =	sdelay $0x4  }
0xa3: {  	[tilespmem:s20+$0x20] =	vst v11  }
0xa4: {  	vm6 =	veq.s32 v1, $0x0;
	v11 =	vld [tilespmem:s11+$0x170]  }
0xa5: {  	v12 =	vsel vm6, $0x0, v9  }
0xa6: {  	v12 =	vadd.f32 $0.0e+00, v12;
	_ =	sdelay $0x1  }
0xa7: {  	v13 =	vperm.xlane v12, v5  }
0xa8: {  	[tilespmem:s20+$0x30] =	vst v11  }
0xa9: {  	v11 =	vsel vm1, $0x0, v13;
	v14 =	vld [tilespmem:$0x80]  }
0xaa: {  	v11 =	vadd.f32 v11, v12;
	_ =	sdelay $0x1  }
0xab: {  	v12 =	vperm.xlane v11, v6;
	_ =	sdelay $0x1  }
0xac: {  	v12 =	vsel vm2, $0x0, v12;
	v13 =	vperm.xlane v14, v10  }
0xad: {  	v11 =	vadd.f32 v12, v11;
	v12 =	vperm.xlane v14, v4  }
0xae: {  	vm6 =	vne.s32 v14, v13  }
0xaf: {  	vm7 =	vne.s32 v14, v12;
	v12 =	vperm.xlane v11, v8;
	vm6 =	vmor vm6, vm5  }
0xb0: {  	vm7 =	vmor vm7, vm4  }
0xb1: {  	v12 =	vsel vm3, $0x0, v12  }
0xb2: {  	v11 =	vadd.f32 v12, v11;
	_ =	sdelay $0x1  }
0xb3: {  	v12 =	vsub.f32 $0.0e+00, v11  }
0xb4: {  	[tilespmem:v14+s1+$0x0] =	vst.idx.add.f32.msk vm6, v11  }
0xb5: {  	[tilespmem:v14+s1+$0x0] =	vst.idx.add.f32.msk vm7, v12  }
0xb6: {  	[spmem:s5] =	stream.indirect_vreg.scatter.add.f32 [tilespmem:s18], [sflag:$0x5], $0x80, v14, vm0, $0xb8;
	[tilespmem:$0x1AA80] =	vst v63  }
0xb7: {  	_ =	swait.ge [sflag:s6], $0x1000  }
0xb8: {  	[sflag:s6] =	ssyncset.done $0x0  }
0xb9: {  	[sflag:s6] =	ssyncadd.s32 $0xFFFFF000  }
0xba: {  	s15 =	simm.s32 $0x0;
	_ =	swait.ge [sflag:s6], $0x800  }
0xbb: {  	s11 =	sand.u32 $0x380, s15;
	s20 =	sand.u32 $0x800, s15;
	[sflag:s6] =	ssyncset.done $0x0  }
0xbc: {  	s11 =	sor.u32 s11, s20;
	[sflag:s6] =	ssyncadd.s32 $0xFFFFF800  }
0xbd: {  	v13 =	vld [tilespmem:s11+$0x2200];
	_ =	sdelay $0x3  }
0xbe: {  	s14 =	simm.s32 $0x3A40  }
0xbf: {  	[tilespmem:s14+$0xFFFFFFC0] =	vst v13  }
0xc0: {  	v13 =	vld [tilespmem:s11+$0x2210];
	_ =	sdelay $0x4  }
0xc1: {  	[tilespmem:s14+$0xFFFFFFD0] =	vst v13  }
0xc2: {  	v13 =	vld [tilespmem:s11+$0x2220];
	_ =	sdelay $0x4  }
0xc3: {  	[tilespmem:s14+$0xFFFFFFE0] =	vst v13  }
0xc4: {  	v13 =	vld [tilespmem:s11+$0x2230];
	_ =	sdelay $0x4  }
0xc5: {  	[tilespmem:s14+$0xFFFFFFF0] =	vst v13  }
0xc6: {  	v13 =	vld [tilespmem:s11+$0x2240];
	_ =	sdelay $0x4  }
0xc7: {  	[tilespmem:s14+$0x0] =	vst v13  }
0xc8: {  	v13 =	vld [tilespmem:s11+$0x2250];
	_ =	sdelay $0x4  }
0xc9: {  	[tilespmem:s14+$0x10] =	vst v13  }
0xca: {  	v13 =	vld [tilespmem:s11+$0x2260];
	_ =	sdelay $0x4  }
0xcb: {  	[tilespmem:s14+$0x20] =	vst v13  }
0xcc: {  	v13 =	vld [tilespmem:s11+$0x2270];
	_ =	sdelay $0x2  }
0xcd: {  	s15 =	simm.s32 $0x80;
	s20 =	simm.s32 $0x100  }
0xce: {  	s29 =	sand.u32 $0x380, s15;
	s20 =	sand.u32 $0x800, s20;
	s11 =	simm.s32 $0x200  }
.LBB2_11:
0xcf: {  	p0 =	sne.s32 s11, $0xF00;
	s20 =	sor.u32 s29, s20;
	[tilespmem:s14+$0x30] =	vst v13  }
0xd0: {  	v13 =	vld [tilespmem:s20+$0x2200];
	_ =	sdelay $0x3  }
0xd1: {  	s14 =	sadd.s32 $0x80, s14  }
0xd2: {  	[tilespmem:s14+$0xFFFFFFC0] =	vst v13  }
0xd3: {  	v13 =	vld [tilespmem:s20+$0x2210];
	_ =	sdelay $0x4  }
0xd4: {  	[tilespmem:s14+$0xFFFFFFD0] =	vst v13  }
0xd5: {  	v13 =	vld [tilespmem:s20+$0x2220];
	_ =	sdelay $0x4  }
0xd6: {  	[tilespmem:s14+$0xFFFFFFE0] =	vst v13  }
0xd7: {  	v13 =	vld [tilespmem:s20+$0x2230];
	_ =	sdelay $0x4  }
0xd8: {  	[tilespmem:s14+$0xFFFFFFF0] =	vst v13  }
0xd9: {  	v13 =	vld [tilespmem:s20+$0x2240];
	_ =	sdelay $0x4  }
0xda: {  	[tilespmem:s14+$0x0] =	vst v13  }
0xdb: {  	v13 =	vld [tilespmem:s20+$0x2250];
	_ =	sdelay $0x4  }
0xdc: {  	[tilespmem:s14+$0x10] =	vst v13  }
0xdd: {  	v13 =	vld [tilespmem:s20+$0x2260];
	_ =	sdelay $0x4  }
0xde: {  	[tilespmem:s14+$0x20] =	vst v13  }
.Ltmp4:
0xdf: {  	v13 =	vld [tilespmem:s20+$0x2270];
	(pc) =	sbr.rel @p0 .LBB2_11-.Ltmp4, $3  }
0xe0: {  	_ =	sdelay $0x1  }
0xe1: {  	s15 =	sadd.s32 $0x80, s15  }
0xe2: {  	s29 =	sand.u32 $0x380, s15;
	s20 =	sand.u32 $0x800, s11;
	s11 =	sadd.s32 $0x100, s11  }
0xe3: {  	s11 =	sor.u32 s29, s20;
	[tilespmem:s14+$0x30] =	vst v13  }
0xe4: {  	v13 =	vld [tilespmem:s11+$0x2200];
	_ =	sdelay $0x3  }
0xe5: {  	s29 =	sadd.s32 $0x80, s14  }
0xe6: {  	[tilespmem:s29+$0xFFFFFFC0] =	vst v13  }
0xe7: {  	v13 =	vld [tilespmem:s11+$0x2210];
	_ =	sdelay $0x4  }
0xe8: {  	[tilespmem:s29+$0xFFFFFFD0] =	vst v13  }
0xe9: {  	v13 =	vld [tilespmem:s11+$0x2220];
	_ =	sdelay $0x4  }
0xea: {  	[tilespmem:s29+$0xFFFFFFE0] =	vst v13  }
0xeb: {  	v13 =	vld [tilespmem:s11+$0x2230];
	_ =	sdelay $0x4  }
0xec: {  	[tilespmem:s29+$0xFFFFFFF0] =	vst v13  }
0xed: {  	v13 =	vld [tilespmem:s11+$0x2240];
	_ =	sdelay $0x4  }
0xee: {  	[tilespmem:s29+$0x0] =	vst v13  }
0xef: {  	v13 =	vld [tilespmem:s11+$0x2250];
	_ =	sdelay $0x4  }
0xf0: {  	[tilespmem:s29+$0x10] =	vst v13  }
0xf1: {  	v13 =	vld [tilespmem:s11+$0x2260];
	_ =	sdelay $0x4  }
0xf2: {  	[tilespmem:s29+$0x20] =	vst v13  }
0xf3: {  	v13 =	vld [tilespmem:s11+$0x2270];
	_ =	sdelay $0x4  }
0xf4: {  	[tilespmem:s29+$0x30] =	vst v13  }
0xf5: {  	v13 =	vld [tilespmem:$0x2180];
	_ =	sdelay $0x4  }
0xf6: {  	v14 =	vperm.xlane v13, v10  }
0xf7: {  	v15 =	vperm.xlane v13, v4  }
0xf8: {  	vm6 =	vne.s32 v13, v14  }
0xf9: {  	vm7 =	vne.s32 v13, v15;
	vm6 =	vmor vm6, vm5  }
0xfa: {  	vm7 =	vmor vm7, vm4;
	_ =	sdelay $0x4  }
0xfb: {  	[tilespmem:v13+s1+$0x0] =	vst.idx.add.f32.msk vm6, v11  }
0xfc: {  	s13 =	sadd.s32 $0x1, s13;
	[tilespmem:v13+s1+$0x0] =	vst.idx.add.f32.msk vm7, v12  }
0xfd: {  	[spmem:s5] =	stream.indirect_vreg.scatter.add.f32 [tilespmem:s16], [sflag:$0x5], $0x80, v13, vm0, $0xb8;
	[tilespmem:$0x1AA80] =	vst v63  }
0xfe: {  	p0 =	sne.s32 s13, $0x138;
	_ =	swait.ge [sflag:s4], $0x800  }
.Ltmp5:
0xff: {  	[sflag:s4] =	ssyncset.done $0x0;
	(pc) =	sbr.rel @p0 .LBB2_8-.Ltmp5, $4  }
0x100: {  	[sflag:s4] =	ssyncadd.s32 $0xFFFFF800  }
0x101: {  	_ =	swait.ge [sflag:s4], $0x800  }
0x102: {  	[sflag:s4] =	ssyncset.done $0x0  }
0x103: {  	[sflag:s4] =	ssyncadd.s32 $0xFFFFF800  }
0x104: {  	s11 =	simm.s32 $0x0;
	s12 =	rddreg [dreg:$0x6]  }
0x105: {  	[tilespmem:s11], [sflag:$0x6] =	stream.linear.gather [hbm4b:s12+s11], $0x10, $0x38;
	[tilespmem:$0x1AA80] =	vst v63  }
0x106: {  	_ =	swait.ge [sflag:s17], $0x10  }
0x107: {  	[sflag:s17] =	ssyncset.done $0x0  }
0x108: {  	s20 =	rddreg [dreg:$0x7];
	[sflag:s17] =	ssyncadd.s32 $0xFFFFFFF0  }
0x109: {  	[tilespmem:s19], [sflag:$0x6] =	stream.linear.gather [hbm4b:s20+s11], $0x10, $0x38;
	[tilespmem:$0x1AA80] =	vst v63  }
0x10a: {  	_ =	swait.ge [sflag:s17], $0x10  }
0x10b: {  	[sflag:s17] =	ssyncset.done $0x0  }
0x10c: {  	[sflag:s17] =	ssyncadd.s32 $0xFFFFFFF0  }
0x10d: {  	v13 =	vld [tilespmem:$0x0];
	_ =	sdelay $0x4  }
0x10e: {  	v14 =	vshll.u32 v13, $0x1  }
0x10f: {  	v13 =	vand.u32 $0x7, v13;
	v14 =	vand.u32 $0xFFFFFFF0, v14  }
0x110: {  	v13 =	vor.u32 v13, v14  }
0x111: {  	v14 =	vperm.xlane v13, v2;
	_ =	sdelay $0x1  }
0x112: {  	v13 =	vperm.xlane v13, v7;
	v14 =	vadd.s32 v3, v14;
	_ =	sdelay $0x1  }
0x113: {  	v13 =	vadd.s32 v3, v13;
	_ =	sdelay $0x2  }
0x114: {  	[tilespmem:s23], [sflag:$0x3] =	stream.indirect_vreg.gather [hbm4b:s7+s11], $0x80, v14, vm0, $0xb8;
	[tilespmem:$0x1AA80] =	vst v63  }
0x115: {  	_ = 	snop  }
0x116: {  	[tilespmem:s24], [sflag:$0x3] =	stream.indirect_vreg.gather [hbm4b:s7+s11], $0x80, v13, vm0, $0xb8;
	[tilespmem:$0x1AA80] =	vst v63  }
0x117: {  	_ = 	snop  }
0x118: {  	[tilespmem:s26], [sflag:$0x3] =	stream.indirect.gather [hbm4b:s8+s25], $0x80, s19, s25, $0xb8;
	[tilespmem:$0x1AA80] =	vst v63  }
0x119: {  	_ =	swait.ge [sflag:s0], $0x1000  }
0x11a: {  	[sflag:s0] =	ssyncset.done $0x0  }
0x11b: {  	[sflag:s0] =	ssyncadd.s32 $0xFFFFF000  }
0x11c: {  	_ =	swait.ge [sflag:s0], $0x800  }
0x11d: {  	s29 =	sand.u32 $0x800, s11;
	s11 =	sand.u32 $0x380, s11;
	[sflag:s0] =	ssyncset.done $0x0  }
0x11e: {  	s11 =	sor.u32 s11, s29;
	[sflag:s0] =	ssyncadd.s32 $0xFFFFF800  }
0x11f: {  	v13 =	vld [tilespmem:s11+$0x100];
	_ =	sdelay $0x3  }
0x120: {  	s12 =	simm.s32 $0x1940  }
0x121: {  	[tilespmem:s12+$0xFFFFFFC0] =	vst v13  }
0x122: {  	v13 =	vld [tilespmem:s11+$0x110];
	_ =	sdelay $0x4  }
0x123: {  	[tilespmem:s12+$0xFFFFFFD0] =	vst v13  }
0x124: {  	v13 =	vld [tilespmem:s11+$0x120];
	_ =	sdelay $0x4  }
0x125: {  	[tilespmem:s12+$0xFFFFFFE0] =	vst v13  }
0x126: {  	v13 =	vld [tilespmem:s11+$0x130];
	_ =	sdelay $0x4  }
0x127: {  	[tilespmem:s12+$0xFFFFFFF0] =	vst v13  }
0x128: {  	v13 =	vld [tilespmem:s11+$0x140];
	_ =	sdelay $0x4  }
0x129: {  	[tilespmem:s12+$0x0] =	vst v13  }
0x12a: {  	v13 =	vld [tilespmem:s11+$0x150];
	_ =	sdelay $0x4  }
0x12b: {  	[tilespmem:s12+$0x10] =	vst v13  }
0x12c: {  	v13 =	vld [tilespmem:s11+$0x160];
	_ =	sdelay $0x4  }
0x12d: {  	[tilespmem:s12+$0x20] =	vst v13  }
0x12e: {  	v13 =	vld [tilespmem:s11+$0x170];
	_ =	sdelay $0x2  }
0x12f: {  	s14 =	simm.s32 $0x100;
	s13 =	simm.s32 $0x80  }
0x130: {  	s14 =	sand.u32 $0x800, s14;
	s15 =	sand.u32 $0x380, s13;
	s11 =	simm.s32 $0x200  }
.LBB2_14:
0x131: {  	p0 =	sne.s32 s11, $0xF00;
	s14 =	sor.u32 s15, s14;
	[tilespmem:s12+$0x30] =	vst v13  }
0x132: {  	v13 =	vld [tilespmem:s14+$0x100];
	_ =	sdelay $0x3  }
0x133: {  	s12 =	sadd.s32 $0x80, s12  }
0x134: {  	[tilespmem:s12+$0xFFFFFFC0] =	vst v13  }
0x135: {  	v13 =	vld [tilespmem:s14+$0x110];
	_ =	sdelay $0x4  }
0x136: {  	[tilespmem:s12+$0xFFFFFFD0] =	vst v13  }
0x137: {  	v13 =	vld [tilespmem:s14+$0x120];
	_ =	sdelay $0x4  }
0x138: {  	[tilespmem:s12+$0xFFFFFFE0] =	vst v13  }
0x139: {  	v13 =	vld [tilespmem:s14+$0x130];
	_ =	sdelay $0x4  }
0x13a: {  	[tilespmem:s12+$0xFFFFFFF0] =	vst v13  }
0x13b: {  	v13 =	vld [tilespmem:s14+$0x140];
	_ =	sdelay $0x4  }
0x13c: {  	[tilespmem:s12+$0x0] =	vst v13  }
0x13d: {  	v13 =	vld [tilespmem:s14+$0x150];
	_ =	sdelay $0x4  }
0x13e: {  	[tilespmem:s12+$0x10] =	vst v13  }
0x13f: {  	v13 =	vld [tilespmem:s14+$0x160];
	_ =	sdelay $0x4  }
0x140: {  	[tilespmem:s12+$0x20] =	vst v13  }
.Ltmp6:
0x141: {  	v13 =	vld [tilespmem:s14+$0x170];
	(pc) =	sbr.rel @p0 .LBB2_14-.Ltmp6, $3  }
0x142: {  	_ =	sdelay $0x1  }
0x143: {  	s13 =	sadd.s32 $0x80, s13  }
0x144: {  	s15 =	sand.u32 $0x380, s13;
	s14 =	sand.u32 $0x800, s11;
	s11 =	sadd.s32 $0x100, s11  }
0x145: {  	s11 =	sor.u32 s15, s14;
	[tilespmem:s12+$0x30] =	vst v13  }
0x146: {  	v13 =	vld [tilespmem:s11+$0x100];
	_ =	sdelay $0x3  }
0x147: {  	s15 =	sadd.s32 $0x80, s12  }
0x148: {  	[tilespmem:s15+$0xFFFFFFC0] =	vst v13  }
0x149: {  	v13 =	vld [tilespmem:s11+$0x110];
	_ =	sdelay $0x4  }
0x14a: {  	[tilespmem:s15+$0xFFFFFFD0] =	vst v13  }
0x14b: {  	v13 =	vld [tilespmem:s11+$0x120];
	_ =	sdelay $0x4  }
0x14c: {  	[tilespmem:s15+$0xFFFFFFE0] =	vst v13  }
0x14d: {  	v13 =	vld [tilespmem:s11+$0x130];
	_ =	sdelay $0x4  }
0x14e: {  	[tilespmem:s15+$0xFFFFFFF0] =	vst v13  }
0x14f: {  	v13 =	vld [tilespmem:s11+$0x140];
	_ =	sdelay $0x4  }
0x150: {  	[tilespmem:s15+$0x0] =	vst v13  }
0x151: {  	v13 =	vld [tilespmem:s11+$0x150];
	_ =	sdelay $0x4  }
0x152: {  	[tilespmem:s15+$0x10] =	vst v13  }
0x153: {  	v13 =	vld [tilespmem:s11+$0x160];
	_ =	sdelay $0x4  }
0x154: {  	[tilespmem:s15+$0x20] =	vst v13  }
0x155: {  	v13 =	vld [tilespmem:s11+$0x170];
	_ =	sdelay $0x4  }
0x156: {  	[tilespmem:s15+$0x30] =	vst v13  }
0x157: {  	v13 =	vld [tilespmem:$0x80];
	_ =	sdelay $0x4  }
0x158: {  	v14 =	vperm.xlane v13, v10  }
0x159: {  	v15 =	vperm.xlane v13, v4  }
0x15a: {  	vm6 =	vne.s32 v13, v14  }
0x15b: {  	vm7 =	vne.s32 v13, v15;
	vm6 =	vmor vm6, vm5  }
0x15c: {  	vm7 =	vmor vm7, vm4;
	_ =	sdelay $0x4  }
0x15d: {  	[tilespmem:v13+s1+$0x0] =	vst.idx.add.f32.msk vm6, v11  }
0x15e: {  	[tilespmem:v13+s1+$0x0] =	vst.idx.add.f32.msk vm7, v12  }
0x15f: {  	[spmem:s5] =	stream.indirect_vreg.scatter.add.f32 [tilespmem:s18], [sflag:$0x5], $0x80, v13, vm0, $0xb8;
	[tilespmem:$0x1AA80] =	vst v63  }
0x160: {  	_ =	swait.ge [sflag:s4], $0x800  }
0x161: {  	[sflag:s4] =	ssyncset.done $0x0  }
0x162: {  	s20 =	stileid.u32;
	[sflag:s4] =	ssyncadd.s32 $0xFFFFF800  }
0x163: {  	s11 =	sshll.u32 s20, $0x6;
	[bflag:$0x0] =	sbarrier.arrive $0xFFFF  }
0x164: {  	s29 =	sshrl.u32 s10, $0x3;
	s11 =	sor.u32 $0x1C06, s11;
	s13 =	rddreg [dreg:$0x8]  }
0x165: {  	[hbm:s13], [sflag:s11] =	dma.local [spmem:s29], $0x2800  }
0x166: {  	_ =	swait.ge [sflag:s17], $0x2800  }
0x167: {  	[sflag:s17] =	ssyncset.done $0x0  }
0x168: {  	s15 =	simm.s32 $0x400;
	s14 =	rddreg [dreg:$0x9];
	[sflag:s17] =	ssyncadd.s32 $0xFFFFD800  }
0x169: {  	[hbm4b:s14+s19] =	stream.strided.scatter [tilespmem:s1], [sflag:$0x6], $0x2800, s15, s19, $0x38;
	[tilespmem:$0x1AA80] =	vst v63  }
0x16a: {  	_ =	swait.ge [sflag:s17], $0x2800  }
0x16b: {  	s20 =	rddreg [dreg:$0xb]  }
0x16c: {  	s29 =	rddreg [dreg:$0xa];
	s12 =	sadd.s32 $0x1, s20  }
0x16d: {  	p0 =	sne.s32 s12, s29  }
.Ltmp7:
0x16e: {  	_ = 	snop;
	(pc) =	sbr.rel @p0 .LBB2_1-.Ltmp7, $3  }
0x16f: {  	_ =	sdelay $0x1  }
0x170: {  	[sflag:s17] =	ssyncset.done $0x0  }
0x171: {  	[sflag:s17] =	ssyncadd.s32 $0xFFFFD800  }
0x172: {  	_ =	sfence.sel $0x180000  }
0x173: {  	[bflag:$0x0] =	sbarrier.arrive $0xFFFF  }
0x174: {  	_ =	strace $0x90000047  }
0x175: {  	s0 =	stileid.u32;
	[bflag:$0x2] =	sbarrier.arrive $0xFFFF  }
0x176: {  	p0 =	sne.s32 s0, $0x0;
	s0 =	rddreg [dreg:$0x5]  }
0x177: {  	s0 =	sadd.s32 @!p0 $0x100000, s0  }
0x178: {  	[sflag:s0] =	ssyncadd.tile.s32 @!p0 $0x1;
	_ =	shalt  }
.Lfunc_end2:
_tile_overlayer_lowered:
.L_overlay_start_2:
0x179: {  	(tag) =	ssettag $0x2  }
0x17a: {  	s0 =	rddreg [dreg:$0x0];
	s2 =	stileid.u32  }
0x17b: {  	s1 =	rddreg [dreg:$0x1];
	p0 =	sne.s32 s2, $0x0  }
0x17c: {  	s3 =	rddreg [dreg:$0x2];
	[bflag:$0x3] =	sbarrier.arrive $0xFFFF;
	s2 =	simm.s32 @!p0 $0x1C06  }
0x17d: {  	[timem:s3], [sflag:s2] =	dma.local @!p0 [hbm:s0], s1  }
0x17e: {  	s0 =	simm.s32 @!p0 $0x6  }
0x17f: {  	_ =	swait.ge @!p0 [sflag:s0], s1  }
0x180: {  	s1 =	ssub.s32 @!p0 $0x0, s1;
	[sflag:s0] =	ssyncset.done @!p0 $0x0  }
0x181: {  	[sflag:s0] =	ssyncadd.s32 @!p0 s1  }
0x182: {  	[bflag:$0x3] =	sbarrier.arrive $0xFFFF  }
0x183: {  	_ =	shalt  }

</sc_bundles>
